<compile_context>
chip_gen: v7x
topology: tpu7x:2x2x1
jax: 0.10.2.dev20260603
libtpu: 0.0.44.dev20260713+nightly
codegen_flags: <defaults>
</compile_context>

<pallas_src>
import functools

import jax
import jax.numpy as jnp
from jax import lax
from jax.experimental import pallas as pl
from jax.experimental.pallas import tpu as pltpu
from jax.experimental.pallas import tpu_sc as plsc

_V = 1000
_VP = 1024
_N = 51200
_NC, _NS = 2, 16
_NW = _NC * _NS
_BPW = _N // _NW
_CH = 16
_NCH = _BPW // _CH
_AUXF = _BPW // 128
_AUXT = _BPW - _AUXF * 128


def _row_lse_body(tab_ref, out_ref):
    x = tab_ref[...]
    m = jnp.max(x, axis=1)
    s = jnp.sum(jnp.exp(x - m[:, None]), axis=1)
    out_ref[...] = m + jnp.log(s)


_row_lse = pl.pallas_call(
    _row_lse_body,
    out_shape=jax.ShapeDtypeStruct((_V,), jnp.float32),
)


def _finalize_body(p_ref, o_ref):
    o_ref[...] = jnp.sum(p_ref[...], axis=(0, 1), keepdims=True) * (1.0 / _N)


_finalize = pl.pallas_call(
    _finalize_body,
    out_shape=jax.ShapeDtypeStruct((1, 1), jnp.float32),
)


def _worker_id():
    return lax.axis_index("s") * _NC + lax.axis_index("c")


def _sc_body(table_hbm, tabflat_hbm, idx_hbm, tgt_hbm, lse_hbm,
             out_hbm, part_hbm,
             idx_v, fi_v, picked_v, lseg_v,
             rows0, rows1, rows2, rows3, accbuf,
             gs0, gs1, gs2, gs3, ss0, ss1, ss2, ss3, sema):
    rows = (rows0, rows1, rows2, rows3)
    gsem = (gs0, gs1, gs2, gs3)
    ssem = (ss0, ss1, ss2, ss3)
    wid = _worker_id()
    base = wid * _BPW
    pltpu.sync_copy(idx_hbm.at[pl.ds(base, _BPW)], idx_v)
    pltpu.sync_copy(tgt_hbm.at[pl.ds(base, _BPW)], fi_v)

    def fi_body(i, c):
        ds = pl.ds(i * 16, 16)
        fi_v[ds] = idx_v[ds] * _V + fi_v[ds]
        return c

    lax.fori_loop(0, _BPW // 16, fi_body, jnp.int32(0))

    def aux_start(off, ln):
        pltpu.make_async_copy(
            tabflat_hbm.at[fi_v.at[pl.ds(off, ln)]],
            picked_v.at[pl.ds(off, ln)], sema).start()
        pltpu.make_async_copy(
            lse_hbm.at[idx_v.at[pl.ds(off, ln)]],
            lseg_v.at[pl.ds(off, ln)], sema).start()

    def gather_start(c, buf, sem):
        pltpu.make_async_copy(
            table_hbm.at[idx_v.at[pl.ds(c * _CH, _CH)]], buf, sem).start()

    def gather_wait(c, buf, sem):
        pltpu.make_async_copy(
            table_hbm.at[idx_v.at[pl.ds(c * _CH, _CH)]], buf, sem).wait()

    def scatter_start(c, buf, sem):
        pltpu.make_async_copy(
            buf, out_hbm.at[pl.ds(base + c * _CH, _CH)], sem).start()

    def scatter_wait(c, buf, sem):
        pltpu.make_async_copy(
            buf, out_hbm.at[pl.ds(base + c * _CH, _CH)], sem).wait()

    gather_start(0, rows[0], gsem[0])
    gather_start(1, rows[1], gsem[1])
    gather_start(2, rows[2], gsem[2])

    def body(i, carry):
        for j in range(4):
            c = i * 4 + j

            if j == 0:
                @pl.when(i < _AUXF // 4)
                def _():
                    off = i * 512
                    aux_start(off, 128)
                    aux_start(off + 128, 128)
                    aux_start(off + 256, 128)
                    aux_start(off + 384, 128)

            gather_wait(c, rows[j], gsem[j])
            scatter_start(c, rows[j], ssem[j])
            jp = (j + 3) % 4

            if j == 0:
                @pl.when(i > 0)
                def _():
                    scatter_wait(c - 1, rows[jp], ssem[jp])
            else:
                scatter_wait(c - 1, rows[jp], ssem[jp])

            @pl.when(c + 3 < _NCH)
            def _():
                gather_start(c + 3, rows[jp], gsem[jp])
        return carry

    lax.fori_loop(0, _NCH // 4, body, jnp.int32(0))
    scatter_wait(_NCH - 1, rows[(_NCH - 1) % 4], ssem[(_NCH - 1) % 4])
    aux_start(_AUXF * 128, _AUXT)

    for k in range(_AUXF):
        pltpu.make_async_copy(
            tabflat_hbm.at[fi_v.at[pl.ds(k * 128, 128)]],
            picked_v.at[pl.ds(k * 128, 128)], sema).wait()
        pltpu.make_async_copy(
            lse_hbm.at[idx_v.at[pl.ds(k * 128, 128)]],
            lseg_v.at[pl.ds(k * 128, 128)], sema).wait()
    pltpu.make_async_copy(
        tabflat_hbm.at[fi_v.at[pl.ds(_AUXF * 128, _AUXT)]],
        picked_v.at[pl.ds(_AUXF * 128, _AUXT)], sema).wait()
    pltpu.make_async_copy(
        lse_hbm.at[idx_v.at[pl.ds(_AUXF * 128, _AUXT)]],
        lseg_v.at[pl.ds(_AUXF * 128, _AUXT)], sema).wait()

    def acc_body(i, acc):
        ds = pl.ds(i * 16, 16)
        return acc + (lseg_v[ds] - picked_v[ds])

    acc = lax.fori_loop(0, _BPW // 16, acc_body, jnp.zeros((16,), jnp.float32))
    for k in range(8):
        accbuf[pl.ds(k * 16, 16)] = jnp.zeros((16,), jnp.float32)
    accbuf[pl.ds(0, 16)] = acc
    pltpu.sync_copy(accbuf, part_hbm.at[wid])


_sc_gather = functools.partial(
    pl.kernel,
    out_type=(
        jax.ShapeDtypeStruct((_N, _VP), jnp.float32),
        jax.ShapeDtypeStruct((_NW, 128), jnp.float32),
    ),
    mesh=plsc.VectorSubcoreMesh(core_axis_name="c", subcore_axis_name="s"),
    scratch_types=[
        pltpu.VMEM((_BPW,), jnp.int32),
        pltpu.VMEM((_BPW,), jnp.int32),
        pltpu.VMEM((_BPW,), jnp.float32),
        pltpu.VMEM((_BPW,), jnp.float32),
        pltpu.VMEM((_CH, _VP), jnp.float32),
        pltpu.VMEM((_CH, _VP), jnp.float32),
        pltpu.VMEM((_CH, _VP), jnp.float32),
        pltpu.VMEM((_CH, _VP), jnp.float32),
        pltpu.VMEM((128,), jnp.float32),
        pltpu.SemaphoreType.DMA,
        pltpu.SemaphoreType.DMA,
        pltpu.SemaphoreType.DMA,
        pltpu.SemaphoreType.DMA,
        pltpu.SemaphoreType.DMA,
        pltpu.SemaphoreType.DMA,
        pltpu.SemaphoreType.DMA,
        pltpu.SemaphoreType.DMA,
        pltpu.SemaphoreType.DMA,
    ],
)(_sc_body)


def kernel(idx, targets, table):
    idx_flat = idx.reshape(-1)
    tgt_flat = targets.reshape(-1)
    table_pad = jnp.pad(table, ((0, 0), (0, _VP - _V)))
    lse = _row_lse(table)
    lse_pad = jnp.pad(lse, (0, 24))
    out_pad, partials = _sc_gather(
        table_pad, table.reshape(-1), idx_flat, tgt_flat, lse_pad)
    logits2 = out_pad[:, :_V]
    losses = _finalize(partials)[0, 0]
    return (logits2, losses)

# --- scband reference (transcript-rebuilt; emitter-appended) ---
"""Pipeline reference for scband-bi-gram-model-38920993636542 (READ-ONLY COPY).

The authoritative reference and input builder live on the scoring server;
editing this copy changes nothing except your own understanding.
"""

import jax, jax.numpy as jnp
import numpy as np

VOCAB = 1000
B, T = 1024, 50


def setup_inputs(seed: int = 0) -> dict:
    key = jax.random.key(seed)
    k_idx, k_tgt, k_tab = jax.random.split(key, 3)
    idx = jax.random.randint(k_idx, (B, T), 0, VOCAB, dtype=jnp.int64 if jax.config.jax_enable_x64 else jnp.int32).astype(jnp.int32)
    targets = jax.random.randint(k_tgt, (B, T), 0, VOCAB, dtype=jnp.int64 if jax.config.jax_enable_x64 else jnp.int32).astype(jnp.int32)
    table = jax.random.normal(k_tab, (VOCAB, VOCAB), dtype=jnp.float32)
    return {"idx": idx, "targets": targets, "table": table}


def reference(idx, targets, table):
    # logits = token_embedding_table(idx)  -> gather rows of [vocab, vocab] table
    logits = jnp.take(table, idx, axis=0)  # [B, T, C]
    Bq, Tq, C = logits.shape
    logits2 = logits.reshape(Bq * Tq, C)
    t = targets.reshape(Bq * Tq)
    # F.cross_entropy with mean reduction
    lse = jax.nn.logsumexp(logits2, axis=1)
    picked = jnp.take_along_axis(logits2, t[:, None], axis=1)[:, 0]
    losses = jnp.mean(lse - picked)
    return (logits2, losses)

if __name__ == "__main__":
    import jax
    _d = setup_inputs()
    print(jax.jit(kernel)(*tuple(_d.values())))

</pallas_src>

<mosaic_0001>
#map = affine_map<(d0, d1) -> (0, 0)>
#map1 = affine_map<(d0, d1) -> (0)>
module attributes {stable_mosaic.version = 14 : i64} {
  func.func @_sc_body(%arg0: i32, %arg1: i32, %arg2: memref<1000x1024xf32, #tpu.memory_space<hbm>>, %arg3: memref<1000000xf32, #tpu.memory_space<hbm>>, %arg4: memref<51200xi32, #tpu.memory_space<hbm>>, %arg5: memref<51200xi32, #tpu.memory_space<hbm>>, %arg6: memref<1024xf32, #tpu.memory_space<hbm>>, %arg7: memref<51200x1024xf32, #tpu.memory_space<hbm>>, %arg8: memref<32x128xf32, #tpu.memory_space<hbm>>, %arg9: memref<1600xi32, #tpu.memory_space<vmem>>, %arg10: memref<1600xi32, #tpu.memory_space<vmem>>, %arg11: memref<1600xf32, #tpu.memory_space<vmem>>, %arg12: memref<1600xf32, #tpu.memory_space<vmem>>, %arg13: memref<16x1024xf32, #tpu.memory_space<vmem>>, %arg14: memref<16x1024xf32, #tpu.memory_space<vmem>>, %arg15: memref<16x1024xf32, #tpu.memory_space<vmem>>, %arg16: memref<16x1024xf32, #tpu.memory_space<vmem>>, %arg17: memref<128xf32, #tpu.memory_space<vmem>>, %arg18: memref<!tpu.dma_semaphore, #tpu.memory_space<semaphore_mem>>, %arg19: memref<!tpu.dma_semaphore, #tpu.memory_space<semaphore_mem>>, %arg20: memref<!tpu.dma_semaphore, #tpu.memory_space<semaphore_mem>>, %arg21: memref<!tpu.dma_semaphore, #tpu.memory_space<semaphore_mem>>, %arg22: memref<!tpu.dma_semaphore, #tpu.memory_space<semaphore_mem>>, %arg23: memref<!tpu.dma_semaphore, #tpu.memory_space<semaphore_mem>>, %arg24: memref<!tpu.dma_semaphore, #tpu.memory_space<semaphore_mem>>, %arg25: memref<!tpu.dma_semaphore, #tpu.memory_space<semaphore_mem>>, %arg26: memref<!tpu.dma_semaphore, #tpu.memory_space<semaphore_mem>>) attributes {dimension_semantics = [#tpu.dimension_semantics<core_parallel>, #tpu.dimension_semantics<subcore_parallel>], iteration_bounds = array<i64: 2, 16>, scalar_prefetch = 0 : i64, scratch_operands = 18 : i64, tpu.core_type = #tpu.core_type<sc_vector_subcore>, window_params = [{transform_indices = #map}, {transform_indices = #map1}, {transform_indices = #map1}, {transform_indices = #map1}, {transform_indices = #map1}, {transform_indices = #map}, {transform_indices = #map}]} {
    %mul3A = arith.constant 2 : i32
    %mul3A_0 = arith.muli %arg1, %mul3A : i32
    %add3A = arith.addi %mul3A_0, %arg0 : i32
    %mul3A_1 = arith.constant 1600 : i32
    %mul3A_2 = arith.muli %add3A, %mul3A_1 : i32
    "tpu.region"() ({
      %run_scoped3A = tpu.sem_alloc : memref<!tpu.dma_semaphore, #tpu.memory_space<semaphore_mem>>
      %dma_start3A_259 = tpu.memref_slice %arg4[%mul3A_2] : memref<51200xi32, #tpu.memory_space<hbm>> -> memref<1600xi32, #tpu.memory_space<hbm>>
      %dma_start3A_260 = tpu.memref_slice %arg4[%mul3A_2] : memref<51200xi32, #tpu.memory_space<hbm>> -> memref<1600xi32, #tpu.memory_space<hbm>>
      tpu.enqueue_dma source(%dma_start3A_260 : memref<1600xi32, #tpu.memory_space<hbm>>) target(%arg9 : memref<1600xi32, #tpu.memory_space<vmem>>) target_semaphore(%run_scoped3A : memref<!tpu.dma_semaphore, #tpu.memory_space<semaphore_mem>>)
      %dma_wait3A_261 = tpu.memref_slice %arg4[%mul3A_2] : memref<51200xi32, #tpu.memory_space<hbm>> -> memref<1600xi32, #tpu.memory_space<hbm>>
      %dma_wait3A_262 = tpu.memref_slice %arg4[%mul3A_2] : memref<51200xi32, #tpu.memory_space<hbm>> -> memref<1600xi32, #tpu.memory_space<hbm>>
      tpu.wait_dma2 semaphore(%run_scoped3A : memref<!tpu.dma_semaphore, #tpu.memory_space<semaphore_mem>>) src(%dma_wait3A_262 : memref<1600xi32, #tpu.memory_space<hbm>>) dst(%arg9 : memref<1600xi32, #tpu.memory_space<vmem>>)
      tpu.yield
    }) : () -> ()
    "tpu.region"() ({
      %run_scoped3A = tpu.sem_alloc : memref<!tpu.dma_semaphore, #tpu.memory_space<semaphore_mem>>
      %dma_start3A_259 = tpu.memref_slice %arg5[%mul3A_2] : memref<51200xi32, #tpu.memory_space<hbm>> -> memref<1600xi32, #tpu.memory_space<hbm>>
      %dma_start3A_260 = tpu.memref_slice %arg5[%mul3A_2] : memref<51200xi32, #tpu.memory_space<hbm>> -> memref<1600xi32, #tpu.memory_space<hbm>>
      tpu.enqueue_dma source(%dma_start3A_260 : memref<1600xi32, #tpu.memory_space<hbm>>) target(%arg10 : memref<1600xi32, #tpu.memory_space<vmem>>) target_semaphore(%run_scoped3A : memref<!tpu.dma_semaphore, #tpu.memory_space<semaphore_mem>>)
      %dma_wait3A_261 = tpu.memref_slice %arg5[%mul3A_2] : memref<51200xi32, #tpu.memory_space<hbm>> -> memref<1600xi32, #tpu.memory_space<hbm>>
      %dma_wait3A_262 = tpu.memref_slice %arg5[%mul3A_2] : memref<51200xi32, #tpu.memory_space<hbm>> -> memref<1600xi32, #tpu.memory_space<hbm>>
      tpu.wait_dma2 semaphore(%run_scoped3A : memref<!tpu.dma_semaphore, #tpu.memory_space<semaphore_mem>>) src(%dma_wait3A_262 : memref<1600xi32, #tpu.memory_space<hbm>>) dst(%arg10 : memref<1600xi32, #tpu.memory_space<vmem>>)
      tpu.yield
    }) : () -> ()
    %scan3A = arith.constant 0 : i32
    %scan3A_3 = arith.constant 0 : i32
    %scan3A_4 = arith.constant 100 : i32
    %scan3A_5 = arith.addi %scan3A_3, %scan3A_4 : i32
    %scan3A_6 = arith.constant 1 : i32
    scf.for %scan3A_259 = %scan3A_3 to %scan3A_5 step %scan3A_6  : i32 {
      %mul3A_260 = arith.constant 16 : i32
      %mul3A_261 = arith.muli %scan3A_259, %mul3A_260 : i32
      %get3A = arith.index_cast %mul3A_261 : i32 to index
      %get3A_262 = tpu.vector_load %arg9[%get3A] {strides = array<i32>} : memref<1600xi32, #tpu.memory_space<vmem>>, vector<16xi32>,
      %get3A_263 = vector.shape_cast %get3A_262 : vector<16xi32> to vector<16xi32>
      %mul3A_264 = arith.constant 1000 : i32
      %mul3A_265 = vector.broadcast %mul3A_264 : i32 to vector<16xi32>
      %mul3A_266 = arith.muli %get3A_263, %mul3A_265 : vector<16xi32>
      %get3A_267 = arith.index_cast %mul3A_261 : i32 to index
      %get3A_268 = tpu.vector_load %arg10[%get3A_267] {strides = array<i32>} : memref<1600xi32, #tpu.memory_space<vmem>>, vector<16xi32>,
      %get3A_269 = vector.shape_cast %get3A_268 : vector<16xi32> to vector<16xi32>
      %add3A_270 = arith.addi %mul3A_266, %get3A_269 : vector<16xi32>
      %swap3A_271 = arith.index_cast %mul3A_261 : i32 to index
      %swap3A_272 = tpu.vector_load %arg10[%swap3A_271] {strides = array<i32>} : memref<1600xi32, #tpu.memory_space<vmem>>, vector<16xi32>,
      %swap3A_273 = vector.shape_cast %swap3A_272 : vector<16xi32> to vector<16xi32>
      %swap3A_274 = vector.shape_cast %add3A_270 : vector<16xi32> to vector<16xi32>
      tpu.vector_store %arg10[%swap3A_271], %swap3A_274 {strides = array<i32>} : memref<1600xi32, #tpu.memory_space<vmem>>, vector<16xi32>,
    }
    %scan3A_7 = arith.constant 100 : i32
    %dma_start3A = arith.constant 0 : i32
    %dma_start3A_8 = tpu.memref_slice %arg9[%dma_start3A] : memref<1600xi32, #tpu.memory_space<vmem>> -> memref<16xi32, #tpu.memory_space<vmem>>
    %dma_start3A_9 = arith.constant 0 : i32
    %dma_start3A_10 = arith.constant 0 : i32
    %dma_start3A_11 = tpu.memref_slice %arg2[%dma_start3A_9, %dma_start3A_10] : memref<1000x1024xf32, #tpu.memory_space<hbm>> -> memref<1000x1024xf32, #tpu.memory_space<hbm>>
    tpu.enqueue_indirect_dma source(%dma_start3A_11 : memref<1000x1024xf32, #tpu.memory_space<hbm>>) target(%arg13 : memref<16x1024xf32, #tpu.memory_space<vmem>>) offsets(%dma_start3A_8 : memref<16xi32, #tpu.memory_space<vmem>>) semaphore(%arg18 : memref<!tpu.dma_semaphore, #tpu.memory_space<semaphore_mem>>)
    %dma_start3A_12 = arith.constant 16 : i32
    %dma_start3A_13 = tpu.memref_slice %arg9[%dma_start3A_12] : memref<1600xi32, #tpu.memory_space<vmem>> -> memref<16xi32, #tpu.memory_space<vmem>>
    %dma_start3A_14 = arith.constant 0 : i32
    %dma_start3A_15 = arith.constant 0 : i32
    %dma_start3A_16 = tpu.memref_slice %arg2[%dma_start3A_14, %dma_start3A_15] : memref<1000x1024xf32, #tpu.memory_space<hbm>> -> memref<1000x1024xf32, #tpu.memory_space<hbm>>
    tpu.enqueue_indirect_dma source(%dma_start3A_16 : memref<1000x1024xf32, #tpu.memory_space<hbm>>) target(%arg14 : memref<16x1024xf32, #tpu.memory_space<vmem>>) offsets(%dma_start3A_13 : memref<16xi32, #tpu.memory_space<vmem>>) semaphore(%arg19 : memref<!tpu.dma_semaphore, #tpu.memory_space<semaphore_mem>>)
    %dma_start3A_17 = arith.constant 32 : i32
    %dma_start3A_18 = tpu.memref_slice %arg9[%dma_start3A_17] : memref<1600xi32, #tpu.memory_space<vmem>> -> memref<16xi32, #tpu.memory_space<vmem>>
    %dma_start3A_19 = arith.constant 0 : i32
    %dma_start3A_20 = arith.constant 0 : i32
    %dma_start3A_21 = tpu.memref_slice %arg2[%dma_start3A_19, %dma_start3A_20] : memref<1000x1024xf32, #tpu.memory_space<hbm>> -> memref<1000x1024xf32, #tpu.memory_space<hbm>>
    tpu.enqueue_indirect_dma source(%dma_start3A_21 : memref<1000x1024xf32, #tpu.memory_space<hbm>>) target(%arg15 : memref<16x1024xf32, #tpu.memory_space<vmem>>) offsets(%dma_start3A_18 : memref<16xi32, #tpu.memory_space<vmem>>) semaphore(%arg20 : memref<!tpu.dma_semaphore, #tpu.memory_space<semaphore_mem>>)
    %scan3A_22 = arith.constant 0 : i32
    %scan3A_23 = arith.constant 0 : i32
    %scan3A_24 = arith.constant 25 : i32
    %scan3A_25 = arith.addi %scan3A_23, %scan3A_24 : i32
    %scan3A_26 = arith.constant 1 : i32
    scf.for %scan3A_259 = %scan3A_23 to %scan3A_25 step %scan3A_26  : i32 {
      %mul3A_260 = arith.constant 4 : i32
      %mul3A_261 = arith.muli %scan3A_259, %mul3A_260 : i32
      %add3A_262 = arith.constant 0 : i32
      %add3A_263 = arith.addi %mul3A_261, %add3A_262 : i32
      %lt3A = arith.constant 3 : i32
      %lt3A_264 = arith.cmpi slt, %scan3A_259, %lt3A : i32
      %convert_element_type3A = arith.extui %lt3A_264 : i1 to i32
      %cond3A = arith.constant 0 : i32
      %cond3A_265 = arith.cmpi ne, %convert_element_type3A, %cond3A : i32
      scf.if %cond3A_265 {
        %mul3A_388 = arith.constant 512 : i32
        %mul3A_389 = arith.muli %scan3A_259, %mul3A_388 : i32
        %dma_start3A_390 = tpu.memref_slice %arg11[%mul3A_389] : memref<1600xf32, #tpu.memory_space<vmem>> -> memref<128xf32, #tpu.memory_space<vmem>>
        %dma_start3A_391 = tpu.memref_slice %arg10[%mul3A_389] : memref<1600xi32, #tpu.memory_space<vmem>> -> memref<128xi32, #tpu.memory_space<vmem>>
        %dma_start3A_392 = arith.constant 0 : i32
        %dma_start3A_393 = tpu.memref_slice %arg3[%dma_start3A_392] : memref<1000000xf32, #tpu.memory_space<hbm>> -> memref<1000000xf32, #tpu.memory_space<hbm>>
        tpu.enqueue_indirect_dma source(%dma_start3A_393 : memref<1000000xf32, #tpu.memory_space<hbm>>) target(%dma_start3A_390 : memref<128xf32, #tpu.memory_space<vmem>>) offsets(%dma_start3A_391 : memref<128xi32, #tpu.memory_space<vmem>>) semaphore(%arg26 : memref<!tpu.dma_semaphore, #tpu.memory_space<semaphore_mem>>)
        %dma_start3A_394 = tpu.memref_slice %arg12[%mul3A_389] : memref<1600xf32, #tpu.memory_space<vmem>> -> memref<128xf32, #tpu.memory_space<vmem>>
        %dma_start3A_395 = tpu.memref_slice %arg9[%mul3A_389] : memref<1600xi32, #tpu.memory_space<vmem>> -> memref<128xi32, #tpu.memory_space<vmem>>
        %dma_start3A_396 = arith.constant 0 : i32
        %dma_start3A_397 = tpu.memref_slice %arg6[%dma_start3A_396] : memref<1024xf32, #tpu.memory_space<hbm>> -> memref<1024xf32, #tpu.memory_space<hbm>>
        tpu.enqueue_indirect_dma source(%dma_start3A_397 : memref<1024xf32, #tpu.memory_space<hbm>>) target(%dma_start3A_394 : memref<128xf32, #tpu.memory_space<vmem>>) offsets(%dma_start3A_395 : memref<128xi32, #tpu.memory_space<vmem>>) semaphore(%arg26 : memref<!tpu.dma_semaphore, #tpu.memory_space<semaphore_mem>>)
        %add3A_398 = arith.constant 128 : i32
        %add3A_399 = arith.addi %mul3A_389, %add3A_398 : i32
        %dma_start3A_400 = tpu.memref_slice %arg11[%add3A_399] : memref<1600xf32, #tpu.memory_space<vmem>> -> memref<128xf32, #tpu.memory_space<vmem>>
        %dma_start3A_401 = tpu.memref_slice %arg10[%add3A_399] : memref<1600xi32, #tpu.memory_space<vmem>> -> memref<128xi32, #tpu.memory_space<vmem>>
        %dma_start3A_402 = arith.constant 0 : i32
        %dma_start3A_403 = tpu.memref_slice %arg3[%dma_start3A_402] : memref<1000000xf32, #tpu.memory_space<hbm>> -> memref<1000000xf32, #tpu.memory_space<hbm>>
        tpu.enqueue_indirect_dma source(%dma_start3A_403 : memref<1000000xf32, #tpu.memory_space<hbm>>) target(%dma_start3A_400 : memref<128xf32, #tpu.memory_space<vmem>>) offsets(%dma_start3A_401 : memref<128xi32, #tpu.memory_space<vmem>>) semaphore(%arg26 : memref<!tpu.dma_semaphore, #tpu.memory_space<semaphore_mem>>)
        %dma_start3A_404 = tpu.memref_slice %arg12[%add3A_399] : memref<1600xf32, #tpu.memory_space<vmem>> -> memref<128xf32, #tpu.memory_space<vmem>>
        %dma_start3A_405 = tpu.memref_slice %arg9[%add3A_399] : memref<1600xi32, #tpu.memory_space<vmem>> -> memref<128xi32, #tpu.memory_space<vmem>>
        %dma_start3A_406 = arith.constant 0 : i32
        %dma_start3A_407 = tpu.memref_slice %arg6[%dma_start3A_406] : memref<1024xf32, #tpu.memory_space<hbm>> -> memref<1024xf32, #tpu.memory_space<hbm>>
        tpu.enqueue_indirect_dma source(%dma_start3A_407 : memref<1024xf32, #tpu.memory_space<hbm>>) target(%dma_start3A_404 : memref<128xf32, #tpu.memory_space<vmem>>) offsets(%dma_start3A_405 : memref<128xi32, #tpu.memory_space<vmem>>) semaphore(%arg26 : memref<!tpu.dma_semaphore, #tpu.memory_space<semaphore_mem>>)
        %add3A_408 = arith.constant 256 : i32
        %add3A_409 = arith.addi %mul3A_389, %add3A_408 : i32
        %dma_start3A_410 = tpu.memref_slice %arg11[%add3A_409] : memref<1600xf32, #tpu.memory_space<vmem>> -> memref<128xf32, #tpu.memory_space<vmem>>
        %dma_start3A_411 = tpu.memref_slice %arg10[%add3A_409] : memref<1600xi32, #tpu.memory_space<vmem>> -> memref<128xi32, #tpu.memory_space<vmem>>
        %dma_start3A_412 = arith.constant 0 : i32
        %dma_start3A_413 = tpu.memref_slice %arg3[%dma_start3A_412] : memref<1000000xf32, #tpu.memory_space<hbm>> -> memref<1000000xf32, #tpu.memory_space<hbm>>
        tpu.enqueue_indirect_dma source(%dma_start3A_413 : memref<1000000xf32, #tpu.memory_space<hbm>>) target(%dma_start3A_410 : memref<128xf32, #tpu.memory_space<vmem>>) offsets(%dma_start3A_411 : memref<128xi32, #tpu.memory_space<vmem>>) semaphore(%arg26 : memref<!tpu.dma_semaphore, #tpu.memory_space<semaphore_mem>>)
        %dma_start3A_414 = tpu.memref_slice %arg12[%add3A_409] : memref<1600xf32, #tpu.memory_space<vmem>> -> memref<128xf32, #tpu.memory_space<vmem>>
        %dma_start3A_415 = tpu.memref_slice %arg9[%add3A_409] : memref<1600xi32, #tpu.memory_space<vmem>> -> memref<128xi32, #tpu.memory_space<vmem>>
        %dma_start3A_416 = arith.constant 0 : i32
        %dma_start3A_417 = tpu.memref_slice %arg6[%dma_start3A_416] : memref<1024xf32, #tpu.memory_space<hbm>> -> memref<1024xf32, #tpu.memory_space<hbm>>
        tpu.enqueue_indirect_dma source(%dma_start3A_417 : memref<1024xf32, #tpu.memory_space<hbm>>) target(%dma_start3A_414 : memref<128xf32, #tpu.memory_space<vmem>>) offsets(%dma_start3A_415 : memref<128xi32, #tpu.memory_space<vmem>>) semaphore(%arg26 : memref<!tpu.dma_semaphore, #tpu.memory_space<semaphore_mem>>)
        %add3A_418 = arith.constant 384 : i32
        %add3A_419 = arith.addi %mul3A_389, %add3A_418 : i32
        %dma_start3A_420 = tpu.memref_slice %arg11[%add3A_419] : memref<1600xf32, #tpu.memory_space<vmem>> -> memref<128xf32, #tpu.memory_space<vmem>>
        %dma_start3A_421 = tpu.memref_slice %arg10[%add3A_419] : memref<1600xi32, #tpu.memory_space<vmem>> -> memref<128xi32, #tpu.memory_space<vmem>>
        %dma_start3A_422 = arith.constant 0 : i32
        %dma_start3A_423 = tpu.memref_slice %arg3[%dma_start3A_422] : memref<1000000xf32, #tpu.memory_space<hbm>> -> memref<1000000xf32, #tpu.memory_space<hbm>>
        tpu.enqueue_indirect_dma source(%dma_start3A_423 : memref<1000000xf32, #tpu.memory_space<hbm>>) target(%dma_start3A_420 : memref<128xf32, #tpu.memory_space<vmem>>) offsets(%dma_start3A_421 : memref<128xi32, #tpu.memory_space<vmem>>) semaphore(%arg26 : memref<!tpu.dma_semaphore, #tpu.memory_space<semaphore_mem>>)
        %dma_start3A_424 = tpu.memref_slice %arg12[%add3A_419] : memref<1600xf32, #tpu.memory_space<vmem>> -> memref<128xf32, #tpu.memory_space<vmem>>
        %dma_start3A_425 = tpu.memref_slice %arg9[%add3A_419] : memref<1600xi32, #tpu.memory_space<vmem>> -> memref<128xi32, #tpu.memory_space<vmem>>
        %dma_start3A_426 = arith.constant 0 : i32
        %dma_start3A_427 = tpu.memref_slice %arg6[%dma_start3A_426] : memref<1024xf32, #tpu.memory_space<hbm>> -> memref<1024xf32, #tpu.memory_space<hbm>>
        tpu.enqueue_indirect_dma source(%dma_start3A_427 : memref<1024xf32, #tpu.memory_space<hbm>>) target(%dma_start3A_424 : memref<128xf32, #tpu.memory_space<vmem>>) offsets(%dma_start3A_425 : memref<128xi32, #tpu.memory_space<vmem>>) semaphore(%arg26 : memref<!tpu.dma_semaphore, #tpu.memory_space<semaphore_mem>>)
      } else {
      }
      %mul3A_266 = arith.constant 16 : i32
      %mul3A_267 = arith.muli %add3A_263, %mul3A_266 : i32
      %dma_wait3A_268 = tpu.memref_slice %arg9[%mul3A_267] : memref<1600xi32, #tpu.memory_space<vmem>> -> memref<16xi32, #tpu.memory_space<vmem>>
      %dma_wait3A_269 = arith.constant 0 : i32
      %dma_wait3A_270 = arith.constant 0 : i32
      %dma_wait3A_271 = tpu.memref_slice %arg2[%dma_wait3A_269, %dma_wait3A_270] : memref<1000x1024xf32, #tpu.memory_space<hbm>> -> memref<1000x1024xf32, #tpu.memory_space<hbm>>
      tpu.wait_indirect_dma semaphore(%arg18 : memref<!tpu.dma_semaphore, #tpu.memory_space<semaphore_mem>>) src(%dma_wait3A_271 : memref<1000x1024xf32, #tpu.memory_space<hbm>>) dst(%arg13 : memref<16x1024xf32, #tpu.memory_space<vmem>>)
      %mul3A_272 = arith.constant 16 : i32
      %mul3A_273 = arith.muli %add3A_263, %mul3A_272 : i32
      %add3A_274 = arith.addi %mul3A_2, %mul3A_273 : i32
      %dma_start3A_275 = arith.constant 0 : i32
      %dma_start3A_276 = tpu.memref_slice %arg7[%add3A_274, %dma_start3A_275] : memref<51200x1024xf32, #tpu.memory_space<hbm>> -> memref<16x1024xf32, #tpu.memory_space<hbm>>
      %dma_start3A_277 = arith.constant 0 : i32
      %dma_start3A_278 = tpu.memref_slice %arg7[%add3A_274, %dma_start3A_277] : memref<51200x1024xf32, #tpu.memory_space<hbm>> -> memref<16x1024xf32, #tpu.memory_space<hbm>>
      tpu.enqueue_dma source(%arg13 : memref<16x1024xf32, #tpu.memory_space<vmem>>) target(%dma_start3A_278 : memref<16x1024xf32, #tpu.memory_space<hbm>>) target_semaphore(%arg22 : memref<!tpu.dma_semaphore, #tpu.memory_space<semaphore_mem>>)
      %gt3A = arith.constant 0 : i32
      %gt3A_279 = arith.cmpi sgt, %scan3A_259, %gt3A : i32
      %convert_element_type3A_280 = arith.extui %gt3A_279 : i1 to i32
      %cond3A_281 = arith.constant 0 : i32
      %cond3A_282 = arith.cmpi ne, %convert_element_type3A_280, %cond3A_281 : i32
      scf.if %cond3A_282 {
        %sub3A_388 = arith.constant 1 : i32
        %sub3A_389 = arith.subi %add3A_263, %sub3A_388 : i32
        %mul3A_390 = arith.constant 16 : i32
        %mul3A_391 = arith.muli %sub3A_389, %mul3A_390 : i32
        %add3A_392 = arith.addi %mul3A_2, %mul3A_391 : i32
        %dma_wait3A_393 = arith.constant 0 : i32
        %dma_wait3A_394 = tpu.memref_slice %arg7[%add3A_392, %dma_wait3A_393] : memref<51200x1024xf32, #tpu.memory_space<hbm>> -> memref<16x1024xf32, #tpu.memory_space<hbm>>
        %dma_wait3A_395 = arith.constant 0 : i32
        %dma_wait3A_396 = tpu.memref_slice %arg7[%add3A_392, %dma_wait3A_395] : memref<51200x1024xf32, #tpu.memory_space<hbm>> -> memref<16x1024xf32, #tpu.memory_space<hbm>>
        tpu.wait_dma2 semaphore(%arg25 : memref<!tpu.dma_semaphore, #tpu.memory_space<semaphore_mem>>) src(%arg16 : memref<16x1024xf32, #tpu.memory_space<vmem>>) dst(%dma_wait3A_396 : memref<16x1024xf32, #tpu.memory_space<hbm>>)
      } else {
      }
      %add3A_283 = arith.constant 3 : i32
      %add3A_284 = arith.addi %add3A_263, %add3A_283 : i32
      %lt3A_285 = arith.constant 100 : i32
      %lt3A_286 = arith.cmpi slt, %add3A_284, %lt3A_285 : i32
      %convert_element_type3A_287 = arith.extui %lt3A_286 : i1 to i32
      %cond3A_288 = arith.constant 0 : i32
      %cond3A_289 = arith.cmpi ne, %convert_element_type3A_287, %cond3A_288 : i32
      scf.if %cond3A_289 {
        %add3A_388 = arith.constant 3 : i32
        %add3A_389 = arith.addi %add3A_263, %add3A_388 : i32
        %mul3A_390 = arith.constant 16 : i32
        %mul3A_391 = arith.muli %add3A_389, %mul3A_390 : i32
        %dma_start3A_392 = tpu.memref_slice %arg9[%mul3A_391] : memref<1600xi32, #tpu.memory_space<vmem>> -> memref<16xi32, #tpu.memory_space<vmem>>
        %dma_start3A_393 = arith.constant 0 : i32
        %dma_start3A_394 = arith.constant 0 : i32
        %dma_start3A_395 = tpu.memref_slice %arg2[%dma_start3A_393, %dma_start3A_394] : memref<1000x1024xf32, #tpu.memory_space<hbm>> -> memref<1000x1024xf32, #tpu.memory_space<hbm>>
        tpu.enqueue_indirect_dma source(%dma_start3A_395 : memref<1000x1024xf32, #tpu.memory_space<hbm>>) target(%arg16 : memref<16x1024xf32, #tpu.memory_space<vmem>>) offsets(%dma_start3A_392 : memref<16xi32, #tpu.memory_space<vmem>>) semaphore(%arg21 : memref<!tpu.dma_semaphore, #tpu.memory_space<semaphore_mem>>)
      } else {
      }
      %mul3A_290 = arith.constant 4 : i32
      %mul3A_291 = arith.muli %scan3A_259, %mul3A_290 : i32
      %add3A_292 = arith.constant 1 : i32
      %add3A_293 = arith.addi %mul3A_291, %add3A_292 : i32
      %mul3A_294 = arith.constant 16 : i32
      %mul3A_295 = arith.muli %add3A_293, %mul3A_294 : i32
      %dma_wait3A_296 = tpu.memref_slice %arg9[%mul3A_295] : memref<1600xi32, #tpu.memory_space<vmem>> -> memref<16xi32, #tpu.memory_space<vmem>>
      %dma_wait3A_297 = arith.constant 0 : i32
      %dma_wait3A_298 = arith.constant 0 : i32
      %dma_wait3A_299 = tpu.memref_slice %arg2[%dma_wait3A_297, %dma_wait3A_298] : memref<1000x1024xf32, #tpu.memory_space<hbm>> -> memref<1000x1024xf32, #tpu.memory_space<hbm>>
      tpu.wait_indirect_dma semaphore(%arg19 : memref<!tpu.dma_semaphore, #tpu.memory_space<semaphore_mem>>) src(%dma_wait3A_299 : memref<1000x1024xf32, #tpu.memory_space<hbm>>) dst(%arg14 : memref<16x1024xf32, #tpu.memory_space<vmem>>)
      %mul3A_300 = arith.constant 16 : i32
      %mul3A_301 = arith.muli %add3A_293, %mul3A_300 : i32
      %add3A_302 = arith.addi %mul3A_2, %mul3A_301 : i32
      %dma_start3A_303 = arith.constant 0 : i32
      %dma_start3A_304 = tpu.memref_slice %arg7[%add3A_302, %dma_start3A_303] : memref<51200x1024xf32, #tpu.memory_space<hbm>> -> memref<16x1024xf32, #tpu.memory_space<hbm>>
      %dma_start3A_305 = arith.constant 0 : i32
      %dma_start3A_306 = tpu.memref_slice %arg7[%add3A_302, %dma_start3A_305] : memref<51200x1024xf32, #tpu.memory_space<hbm>> -> memref<16x1024xf32, #tpu.memory_space<hbm>>
      tpu.enqueue_dma source(%arg14 : memref<16x1024xf32, #tpu.memory_space<vmem>>) target(%dma_start3A_306 : memref<16x1024xf32, #tpu.memory_space<hbm>>) target_semaphore(%arg23 : memref<!tpu.dma_semaphore, #tpu.memory_space<semaphore_mem>>)
      %sub3A = arith.constant 1 : i32
      %sub3A_307 = arith.subi %add3A_293, %sub3A : i32
      %mul3A_308 = arith.constant 16 : i32
      %mul3A_309 = arith.muli %sub3A_307, %mul3A_308 : i32
      %add3A_310 = arith.addi %mul3A_2, %mul3A_309 : i32
      %dma_wait3A_311 = arith.constant 0 : i32
      %dma_wait3A_312 = tpu.memref_slice %arg7[%add3A_310, %dma_wait3A_311] : memref<51200x1024xf32, #tpu.memory_space<hbm>> -> memref<16x1024xf32, #tpu.memory_space<hbm>>
      %dma_wait3A_313 = arith.constant 0 : i32
      %dma_wait3A_314 = tpu.memref_slice %arg7[%add3A_310, %dma_wait3A_313] : memref<51200x1024xf32, #tpu.memory_space<hbm>> -> memref<16x1024xf32, #tpu.memory_space<hbm>>
      tpu.wait_dma2 semaphore(%arg22 : memref<!tpu.dma_semaphore, #tpu.memory_space<semaphore_mem>>) src(%arg13 : memref<16x1024xf32, #tpu.memory_space<vmem>>) dst(%dma_wait3A_314 : memref<16x1024xf32, #tpu.memory_space<hbm>>)
      %add3A_315 = arith.constant 3 : i32
      %add3A_316 = arith.addi %add3A_293, %add3A_315 : i32
      %lt3A_317 = arith.constant 100 : i32
      %lt3A_318 = arith.cmpi slt, %add3A_316, %lt3A_317 : i32
      %convert_element_type3A_319 = arith.extui %lt3A_318 : i1 to i32
      %cond3A_320 = arith.constant 0 : i32
      %cond3A_321 = arith.cmpi ne, %convert_element_type3A_319, %cond3A_320 : i32
      scf.if %cond3A_321 {
        %add3A_388 = arith.constant 3 : i32
        %add3A_389 = arith.addi %add3A_293, %add3A_388 : i32
        %mul3A_390 = arith.constant 16 : i32
        %mul3A_391 = arith.muli %add3A_389, %mul3A_390 : i32
        %dma_start3A_392 = tpu.memref_slice %arg9[%mul3A_391] : memref<1600xi32, #tpu.memory_space<vmem>> -> memref<16xi32, #tpu.memory_space<vmem>>
        %dma_start3A_393 = arith.constant 0 : i32
        %dma_start3A_394 = arith.constant 0 : i32
        %dma_start3A_395 = tpu.memref_slice %arg2[%dma_start3A_393, %dma_start3A_394] : memref<1000x1024xf32, #tpu.memory_space<hbm>> -> memref<1000x1024xf32, #tpu.memory_space<hbm>>
        tpu.enqueue_indirect_dma source(%dma_start3A_395 : memref<1000x1024xf32, #tpu.memory_space<hbm>>) target(%arg13 : memref<16x1024xf32, #tpu.memory_space<vmem>>) offsets(%dma_start3A_392 : memref<16xi32, #tpu.memory_space<vmem>>) semaphore(%arg18 : memref<!tpu.dma_semaphore, #tpu.memory_space<semaphore_mem>>)
      } else {
      }
      %mul3A_322 = arith.constant 4 : i32
      %mul3A_323 = arith.muli %scan3A_259, %mul3A_322 : i32
      %add3A_324 = arith.constant 2 : i32
      %add3A_325 = arith.addi %mul3A_323, %add3A_324 : i32
      %mul3A_326 = arith.constant 16 : i32
      %mul3A_327 = arith.muli %add3A_325, %mul3A_326 : i32
      %dma_wait3A_328 = tpu.memref_slice %arg9[%mul3A_327] : memref<1600xi32, #tpu.memory_space<vmem>> -> memref<16xi32, #tpu.memory_space<vmem>>
      %dma_wait3A_329 = arith.constant 0 : i32
      %dma_wait3A_330 = arith.constant 0 : i32
      %dma_wait3A_331 = tpu.memref_slice %arg2[%dma_wait3A_329, %dma_wait3A_330] : memref<1000x1024xf32, #tpu.memory_space<hbm>> -> memref<1000x1024xf32, #tpu.memory_space<hbm>>
      tpu.wait_indirect_dma semaphore(%arg20 : memref<!tpu.dma_semaphore, #tpu.memory_space<semaphore_mem>>) src(%dma_wait3A_331 : memref<1000x1024xf32, #tpu.memory_space<hbm>>) dst(%arg15 : memref<16x1024xf32, #tpu.memory_space<vmem>>)
      %mul3A_332 = arith.constant 16 : i32
      %mul3A_333 = arith.muli %add3A_325, %mul3A_332 : i32
      %add3A_334 = arith.addi %mul3A_2, %mul3A_333 : i32
      %dma_start3A_335 = arith.constant 0 : i32
      %dma_start3A_336 = tpu.memref_slice %arg7[%add3A_334, %dma_start3A_335] : memref<51200x1024xf32, #tpu.memory_space<hbm>> -> memref<16x1024xf32, #tpu.memory_space<hbm>>
      %dma_start3A_337 = arith.constant 0 : i32
      %dma_start3A_338 = tpu.memref_slice %arg7[%add3A_334, %dma_start3A_337] : memref<51200x1024xf32, #tpu.memory_space<hbm>> -> memref<16x1024xf32, #tpu.memory_space<hbm>>
      tpu.enqueue_dma source(%arg15 : memref<16x1024xf32, #tpu.memory_space<vmem>>) target(%dma_start3A_338 : memref<16x1024xf32, #tpu.memory_space<hbm>>) target_semaphore(%arg24 : memref<!tpu.dma_semaphore, #tpu.memory_space<semaphore_mem>>)
      %sub3A_339 = arith.constant 1 : i32
      %sub3A_340 = arith.subi %add3A_325, %sub3A_339 : i32
      %mul3A_341 = arith.constant 16 : i32
      %mul3A_342 = arith.muli %sub3A_340, %mul3A_341 : i32
      %add3A_343 = arith.addi %mul3A_2, %mul3A_342 : i32
      %dma_wait3A_344 = arith.constant 0 : i32
      %dma_wait3A_345 = tpu.memref_slice %arg7[%add3A_343, %dma_wait3A_344] : memref<51200x1024xf32, #tpu.memory_space<hbm>> -> memref<16x1024xf32, #tpu.memory_space<hbm>>
      %dma_wait3A_346 = arith.constant 0 : i32
      %dma_wait3A_347 = tpu.memref_slice %arg7[%add3A_343, %dma_wait3A_346] : memref<51200x1024xf32, #tpu.memory_space<hbm>> -> memref<16x1024xf32, #tpu.memory_space<hbm>>
      tpu.wait_dma2 semaphore(%arg23 : memref<!tpu.dma_semaphore, #tpu.memory_space<semaphore_mem>>) src(%arg14 : memref<16x1024xf32, #tpu.memory_space<vmem>>) dst(%dma_wait3A_347 : memref<16x1024xf32, #tpu.memory_space<hbm>>)
      %add3A_348 = arith.constant 3 : i32
      %add3A_349 = arith.addi %add3A_325, %add3A_348 : i32
      %lt3A_350 = arith.constant 100 : i32
      %lt3A_351 = arith.cmpi slt, %add3A_349, %lt3A_350 : i32
      %convert_element_type3A_352 = arith.extui %lt3A_351 : i1 to i32
      %cond3A_353 = arith.constant 0 : i32
      %cond3A_354 = arith.cmpi ne, %convert_element_type3A_352, %cond3A_353 : i32
      scf.if %cond3A_354 {
        %add3A_388 = arith.constant 3 : i32
        %add3A_389 = arith.addi %add3A_325, %add3A_388 : i32
        %mul3A_390 = arith.constant 16 : i32
        %mul3A_391 = arith.muli %add3A_389, %mul3A_390 : i32
        %dma_start3A_392 = tpu.memref_slice %arg9[%mul3A_391] : memref<1600xi32, #tpu.memory_space<vmem>> -> memref<16xi32, #tpu.memory_space<vmem>>
        %dma_start3A_393 = arith.constant 0 : i32
        %dma_start3A_394 = arith.constant 0 : i32
        %dma_start3A_395 = tpu.memref_slice %arg2[%dma_start3A_393, %dma_start3A_394] : memref<1000x1024xf32, #tpu.memory_space<hbm>> -> memref<1000x1024xf32, #tpu.memory_space<hbm>>
        tpu.enqueue_indirect_dma source(%dma_start3A_395 : memref<1000x1024xf32, #tpu.memory_space<hbm>>) target(%arg14 : memref<16x1024xf32, #tpu.memory_space<vmem>>) offsets(%dma_start3A_392 : memref<16xi32, #tpu.memory_space<vmem>>) semaphore(%arg19 : memref<!tpu.dma_semaphore, #tpu.memory_space<semaphore_mem>>)
      } else {
      }
      %mul3A_355 = arith.constant 4 : i32
      %mul3A_356 = arith.muli %scan3A_259, %mul3A_355 : i32
      %add3A_357 = arith.constant 3 : i32
      %add3A_358 = arith.addi %mul3A_356, %add3A_357 : i32
      %mul3A_359 = arith.constant 16 : i32
      %mul3A_360 = arith.muli %add3A_358, %mul3A_359 : i32
      %dma_wait3A_361 = tpu.memref_slice %arg9[%mul3A_360] : memref<1600xi32, #tpu.memory_space<vmem>> -> memref<16xi32, #tpu.memory_space<vmem>>
      %dma_wait3A_362 = arith.constant 0 : i32
      %dma_wait3A_363 = arith.constant 0 : i32
      %dma_wait3A_364 = tpu.memref_slice %arg2[%dma_wait3A_362, %dma_wait3A_363] : memref<1000x1024xf32, #tpu.memory_space<hbm>> -> memref<1000x1024xf32, #tpu.memory_space<hbm>>
      tpu.wait_indirect_dma semaphore(%arg21 : memref<!tpu.dma_semaphore, #tpu.memory_space<semaphore_mem>>) src(%dma_wait3A_364 : memref<1000x1024xf32, #tpu.memory_space<hbm>>) dst(%arg16 : memref<16x1024xf32, #tpu.memory_space<vmem>>)
      %mul3A_365 = arith.constant 16 : i32
      %mul3A_366 = arith.muli %add3A_358, %mul3A_365 : i32
      %add3A_367 = arith.addi %mul3A_2, %mul3A_366 : i32
      %dma_start3A_368 = arith.constant 0 : i32
      %dma_start3A_369 = tpu.memref_slice %arg7[%add3A_367, %dma_start3A_368] : memref<51200x1024xf32, #tpu.memory_space<hbm>> -> memref<16x1024xf32, #tpu.memory_space<hbm>>
      %dma_start3A_370 = arith.constant 0 : i32
      %dma_start3A_371 = tpu.memref_slice %arg7[%add3A_367, %dma_start3A_370] : memref<51200x1024xf32, #tpu.memory_space<hbm>> -> memref<16x1024xf32, #tpu.memory_space<hbm>>
      tpu.enqueue_dma source(%arg16 : memref<16x1024xf32, #tpu.memory_space<vmem>>) target(%dma_start3A_371 : memref<16x1024xf32, #tpu.memory_space<hbm>>) target_semaphore(%arg25 : memref<!tpu.dma_semaphore, #tpu.memory_space<semaphore_mem>>)
      %sub3A_372 = arith.constant 1 : i32
      %sub3A_373 = arith.subi %add3A_358, %sub3A_372 : i32
      %mul3A_374 = arith.constant 16 : i32
      %mul3A_375 = arith.muli %sub3A_373, %mul3A_374 : i32
      %add3A_376 = arith.addi %mul3A_2, %mul3A_375 : i32
      %dma_wait3A_377 = arith.constant 0 : i32
      %dma_wait3A_378 = tpu.memref_slice %arg7[%add3A_376, %dma_wait3A_377] : memref<51200x1024xf32, #tpu.memory_space<hbm>> -> memref<16x1024xf32, #tpu.memory_space<hbm>>
      %dma_wait3A_379 = arith.constant 0 : i32
      %dma_wait3A_380 = tpu.memref_slice %arg7[%add3A_376, %dma_wait3A_379] : memref<51200x1024xf32, #tpu.memory_space<hbm>> -> memref<16x1024xf32, #tpu.memory_space<hbm>>
      tpu.wait_dma2 semaphore(%arg24 : memref<!tpu.dma_semaphore, #tpu.memory_space<semaphore_mem>>) src(%arg15 : memref<16x1024xf32, #tpu.memory_space<vmem>>) dst(%dma_wait3A_380 : memref<16x1024xf32, #tpu.memory_space<hbm>>)
      %add3A_381 = arith.constant 3 : i32
      %add3A_382 = arith.addi %add3A_358, %add3A_381 : i32
      %lt3A_383 = arith.constant 100 : i32
      %lt3A_384 = arith.cmpi slt, %add3A_382, %lt3A_383 : i32
      %convert_element_type3A_385 = arith.extui %lt3A_384 : i1 to i32
      %cond3A_386 = arith.constant 0 : i32
      %cond3A_387 = arith.cmpi ne, %convert_element_type3A_385, %cond3A_386 : i32
      scf.if %cond3A_387 {
        %add3A_388 = arith.constant 3 : i32
        %add3A_389 = arith.addi %add3A_358, %add3A_388 : i32
        %mul3A_390 = arith.constant 16 : i32
        %mul3A_391 = arith.muli %add3A_389, %mul3A_390 : i32
        %dma_start3A_392 = tpu.memref_slice %arg9[%mul3A_391] : memref<1600xi32, #tpu.memory_space<vmem>> -> memref<16xi32, #tpu.memory_space<vmem>>
        %dma_start3A_393 = arith.constant 0 : i32
        %dma_start3A_394 = arith.constant 0 : i32
        %dma_start3A_395 = tpu.memref_slice %arg2[%dma_start3A_393, %dma_start3A_394] : memref<1000x1024xf32, #tpu.memory_space<hbm>> -> memref<1000x1024xf32, #tpu.memory_space<hbm>>
        tpu.enqueue_indirect_dma source(%dma_start3A_395 : memref<1000x1024xf32, #tpu.memory_space<hbm>>) target(%arg15 : memref<16x1024xf32, #tpu.memory_space<vmem>>) offsets(%dma_start3A_392 : memref<16xi32, #tpu.memory_space<vmem>>) semaphore(%arg20 : memref<!tpu.dma_semaphore, #tpu.memory_space<semaphore_mem>>)
      } else {
      }
    }
    %scan3A_27 = arith.constant 25 : i32
    %add3A_28 = arith.constant 1584 : i32
    %add3A_29 = arith.addi %mul3A_2, %add3A_28 : i32
    %dma_wait3A = arith.constant 0 : i32
    %dma_wait3A_30 = tpu.memref_slice %arg7[%add3A_29, %dma_wait3A] : memref<51200x1024xf32, #tpu.memory_space<hbm>> -> memref<16x1024xf32, #tpu.memory_space<hbm>>
    %dma_wait3A_31 = arith.constant 0 : i32
    %dma_wait3A_32 = tpu.memref_slice %arg7[%add3A_29, %dma_wait3A_31] : memref<51200x1024xf32, #tpu.memory_space<hbm>> -> memref<16x1024xf32, #tpu.memory_space<hbm>>
    tpu.wait_dma2 semaphore(%arg25 : memref<!tpu.dma_semaphore, #tpu.memory_space<semaphore_mem>>) src(%arg16 : memref<16x1024xf32, #tpu.memory_space<vmem>>) dst(%dma_wait3A_32 : memref<16x1024xf32, #tpu.memory_space<hbm>>)
    %dma_start3A_33 = arith.constant 1536 : i32
    %dma_start3A_34 = tpu.memref_slice %arg11[%dma_start3A_33] : memref<1600xf32, #tpu.memory_space<vmem>> -> memref<64xf32, #tpu.memory_space<vmem>>
    %dma_start3A_35 = arith.constant 1536 : i32
    %dma_start3A_36 = tpu.memref_slice %arg10[%dma_start3A_35] : memref<1600xi32, #tpu.memory_space<vmem>> -> memref<64xi32, #tpu.memory_space<vmem>>
    %dma_start3A_37 = arith.constant 0 : i32
    %dma_start3A_38 = tpu.memref_slice %arg3[%dma_start3A_37] : memref<1000000xf32, #tpu.memory_space<hbm>> -> memref<1000000xf32, #tpu.memory_space<hbm>>
    tpu.enqueue_indirect_dma source(%dma_start3A_38 : memref<1000000xf32, #tpu.memory_space<hbm>>) target(%dma_start3A_34 : memref<64xf32, #tpu.memory_space<vmem>>) offsets(%dma_start3A_36 : memref<64xi32, #tpu.memory_space<vmem>>) semaphore(%arg26 : memref<!tpu.dma_semaphore, #tpu.memory_space<semaphore_mem>>)
    %dma_start3A_39 = arith.constant 1536 : i32
    %dma_start3A_40 = tpu.memref_slice %arg12[%dma_start3A_39] : memref<1600xf32, #tpu.memory_space<vmem>> -> memref<64xf32, #tpu.memory_space<vmem>>
    %dma_start3A_41 = arith.constant 1536 : i32
    %dma_start3A_42 = tpu.memref_slice %arg9[%dma_start3A_41] : memref<1600xi32, #tpu.memory_space<vmem>> -> memref<64xi32, #tpu.memory_space<vmem>>
    %dma_start3A_43 = arith.constant 0 : i32
    %dma_start3A_44 = tpu.memref_slice %arg6[%dma_start3A_43] : memref<1024xf32, #tpu.memory_space<hbm>> -> memref<1024xf32, #tpu.memory_space<hbm>>
    tpu.enqueue_indirect_dma source(%dma_start3A_44 : memref<1024xf32, #tpu.memory_space<hbm>>) target(%dma_start3A_40 : memref<64xf32, #tpu.memory_space<vmem>>) offsets(%dma_start3A_42 : memref<64xi32, #tpu.memory_space<vmem>>) semaphore(%arg26 : memref<!tpu.dma_semaphore, #tpu.memory_space<semaphore_mem>>)
    %dma_wait3A_45 = arith.constant 0 : i32
    %dma_wait3A_46 = tpu.memref_slice %arg11[%dma_wait3A_45] : memref<1600xf32, #tpu.memory_space<vmem>> -> memref<128xf32, #tpu.memory_space<vmem>>
    %dma_wait3A_47 = arith.constant 0 : i32
    %dma_wait3A_48 = tpu.memref_slice %arg10[%dma_wait3A_47] : memref<1600xi32, #tpu.memory_space<vmem>> -> memref<128xi32, #tpu.memory_space<vmem>>
    %dma_wait3A_49 = arith.constant 0 : i32
    %dma_wait3A_50 = tpu.memref_slice %arg3[%dma_wait3A_49] : memref<1000000xf32, #tpu.memory_space<hbm>> -> memref<1000000xf32, #tpu.memory_space<hbm>>
    tpu.wait_indirect_dma semaphore(%arg26 : memref<!tpu.dma_semaphore, #tpu.memory_space<semaphore_mem>>) src(%dma_wait3A_50 : memref<1000000xf32, #tpu.memory_space<hbm>>) dst(%dma_wait3A_46 : memref<128xf32, #tpu.memory_space<vmem>>)
    %dma_wait3A_51 = arith.constant 0 : i32
    %dma_wait3A_52 = tpu.memref_slice %arg12[%dma_wait3A_51] : memref<1600xf32, #tpu.memory_space<vmem>> -> memref<128xf32, #tpu.memory_space<vmem>>
    %dma_wait3A_53 = arith.constant 0 : i32
    %dma_wait3A_54 = tpu.memref_slice %arg9[%dma_wait3A_53] : memref<1600xi32, #tpu.memory_space<vmem>> -> memref<128xi32, #tpu.memory_space<vmem>>
    %dma_wait3A_55 = arith.constant 0 : i32
    %dma_wait3A_56 = tpu.memref_slice %arg6[%dma_wait3A_55] : memref<1024xf32, #tpu.memory_space<hbm>> -> memref<1024xf32, #tpu.memory_space<hbm>>
    tpu.wait_indirect_dma semaphore(%arg26 : memref<!tpu.dma_semaphore, #tpu.memory_space<semaphore_mem>>) src(%dma_wait3A_56 : memref<1024xf32, #tpu.memory_space<hbm>>) dst(%dma_wait3A_52 : memref<128xf32, #tpu.memory_space<vmem>>)
    %dma_wait3A_57 = arith.constant 128 : i32
    %dma_wait3A_58 = tpu.memref_slice %arg11[%dma_wait3A_57] : memref<1600xf32, #tpu.memory_space<vmem>> -> memref<128xf32, #tpu.memory_space<vmem>>
    %dma_wait3A_59 = arith.constant 128 : i32
    %dma_wait3A_60 = tpu.memref_slice %arg10[%dma_wait3A_59] : memref<1600xi32, #tpu.memory_space<vmem>> -> memref<128xi32, #tpu.memory_space<vmem>>
    %dma_wait3A_61 = arith.constant 0 : i32
    %dma_wait3A_62 = tpu.memref_slice %arg3[%dma_wait3A_61] : memref<1000000xf32, #tpu.memory_space<hbm>> -> memref<1000000xf32, #tpu.memory_space<hbm>>
    tpu.wait_indirect_dma semaphore(%arg26 : memref<!tpu.dma_semaphore, #tpu.memory_space<semaphore_mem>>) src(%dma_wait3A_62 : memref<1000000xf32, #tpu.memory_space<hbm>>) dst(%dma_wait3A_58 : memref<128xf32, #tpu.memory_space<vmem>>)
    %dma_wait3A_63 = arith.constant 128 : i32
    %dma_wait3A_64 = tpu.memref_slice %arg12[%dma_wait3A_63] : memref<1600xf32, #tpu.memory_space<vmem>> -> memref<128xf32, #tpu.memory_space<vmem>>
    %dma_wait3A_65 = arith.constant 128 : i32
    %dma_wait3A_66 = tpu.memref_slice %arg9[%dma_wait3A_65] : memref<1600xi32, #tpu.memory_space<vmem>> -> memref<128xi32, #tpu.memory_space<vmem>>
    %dma_wait3A_67 = arith.constant 0 : i32
    %dma_wait3A_68 = tpu.memref_slice %arg6[%dma_wait3A_67] : memref<1024xf32, #tpu.memory_space<hbm>> -> memref<1024xf32, #tpu.memory_space<hbm>>
    tpu.wait_indirect_dma semaphore(%arg26 : memref<!tpu.dma_semaphore, #tpu.memory_space<semaphore_mem>>) src(%dma_wait3A_68 : memref<1024xf32, #tpu.memory_space<hbm>>) dst(%dma_wait3A_64 : memref<128xf32, #tpu.memory_space<vmem>>)
    %dma_wait3A_69 = arith.constant 256 : i32
    %dma_wait3A_70 = tpu.memref_slice %arg11[%dma_wait3A_69] : memref<1600xf32, #tpu.memory_space<vmem>> -> memref<128xf32, #tpu.memory_space<vmem>>
    %dma_wait3A_71 = arith.constant 256 : i32
    %dma_wait3A_72 = tpu.memref_slice %arg10[%dma_wait3A_71] : memref<1600xi32, #tpu.memory_space<vmem>> -> memref<128xi32, #tpu.memory_space<vmem>>
    %dma_wait3A_73 = arith.constant 0 : i32
    %dma_wait3A_74 = tpu.memref_slice %arg3[%dma_wait3A_73] : memref<1000000xf32, #tpu.memory_space<hbm>> -> memref<1000000xf32, #tpu.memory_space<hbm>>
    tpu.wait_indirect_dma semaphore(%arg26 : memref<!tpu.dma_semaphore, #tpu.memory_space<semaphore_mem>>) src(%dma_wait3A_74 : memref<1000000xf32, #tpu.memory_space<hbm>>) dst(%dma_wait3A_70 : memref<128xf32, #tpu.memory_space<vmem>>)
    %dma_wait3A_75 = arith.constant 256 : i32
    %dma_wait3A_76 = tpu.memref_slice %arg12[%dma_wait3A_75] : memref<1600xf32, #tpu.memory_space<vmem>> -> memref<128xf32, #tpu.memory_space<vmem>>
    %dma_wait3A_77 = arith.constant 256 : i32
    %dma_wait3A_78 = tpu.memref_slice %arg9[%dma_wait3A_77] : memref<1600xi32, #tpu.memory_space<vmem>> -> memref<128xi32, #tpu.memory_space<vmem>>
    %dma_wait3A_79 = arith.constant 0 : i32
    %dma_wait3A_80 = tpu.memref_slice %arg6[%dma_wait3A_79] : memref<1024xf32, #tpu.memory_space<hbm>> -> memref<1024xf32, #tpu.memory_space<hbm>>
    tpu.wait_indirect_dma semaphore(%arg26 : memref<!tpu.dma_semaphore, #tpu.memory_space<semaphore_mem>>) src(%dma_wait3A_80 : memref<1024xf32, #tpu.memory_space<hbm>>) dst(%dma_wait3A_76 : memref<128xf32, #tpu.memory_space<vmem>>)
    %dma_wait3A_81 = arith.constant 384 : i32
    %dma_wait3A_82 = tpu.memref_slice %arg11[%dma_wait3A_81] : memref<1600xf32, #tpu.memory_space<vmem>> -> memref<128xf32, #tpu.memory_space<vmem>>
    %dma_wait3A_83 = arith.constant 384 : i32
    %dma_wait3A_84 = tpu.memref_slice %arg10[%dma_wait3A_83] : memref<1600xi32, #tpu.memory_space<vmem>> -> memref<128xi32, #tpu.memory_space<vmem>>
    %dma_wait3A_85 = arith.constant 0 : i32
    %dma_wait3A_86 = tpu.memref_slice %arg3[%dma_wait3A_85] : memref<1000000xf32, #tpu.memory_space<hbm>> -> memref<1000000xf32, #tpu.memory_space<hbm>>
    tpu.wait_indirect_dma semaphore(%arg26 : memref<!tpu.dma_semaphore, #tpu.memory_space<semaphore_mem>>) src(%dma_wait3A_86 : memref<1000000xf32, #tpu.memory_space<hbm>>) dst(%dma_wait3A_82 : memref<128xf32, #tpu.memory_space<vmem>>)
    %dma_wait3A_87 = arith.constant 384 : i32
    %dma_wait3A_88 = tpu.memref_slice %arg12[%dma_wait3A_87] : memref<1600xf32, #tpu.memory_space<vmem>> -> memref<128xf32, #tpu.memory_space<vmem>>
    %dma_wait3A_89 = arith.constant 384 : i32
    %dma_wait3A_90 = tpu.memref_slice %arg9[%dma_wait3A_89] : memref<1600xi32, #tpu.memory_space<vmem>> -> memref<128xi32, #tpu.memory_space<vmem>>
    %dma_wait3A_91 = arith.constant 0 : i32
    %dma_wait3A_92 = tpu.memref_slice %arg6[%dma_wait3A_91] : memref<1024xf32, #tpu.memory_space<hbm>> -> memref<1024xf32, #tpu.memory_space<hbm>>
    tpu.wait_indirect_dma semaphore(%arg26 : memref<!tpu.dma_semaphore, #tpu.memory_space<semaphore_mem>>) src(%dma_wait3A_92 : memref<1024xf32, #tpu.memory_space<hbm>>) dst(%dma_wait3A_88 : memref<128xf32, #tpu.memory_space<vmem>>)
    %dma_wait3A_93 = arith.constant 512 : i32
    %dma_wait3A_94 = tpu.memref_slice %arg11[%dma_wait3A_93] : memref<1600xf32, #tpu.memory_space<vmem>> -> memref<128xf32, #tpu.memory_space<vmem>>
    %dma_wait3A_95 = arith.constant 512 : i32
    %dma_wait3A_96 = tpu.memref_slice %arg10[%dma_wait3A_95] : memref<1600xi32, #tpu.memory_space<vmem>> -> memref<128xi32, #tpu.memory_space<vmem>>
    %dma_wait3A_97 = arith.constant 0 : i32
    %dma_wait3A_98 = tpu.memref_slice %arg3[%dma_wait3A_97] : memref<1000000xf32, #tpu.memory_space<hbm>> -> memref<1000000xf32, #tpu.memory_space<hbm>>
    tpu.wait_indirect_dma semaphore(%arg26 : memref<!tpu.dma_semaphore, #tpu.memory_space<semaphore_mem>>) src(%dma_wait3A_98 : memref<1000000xf32, #tpu.memory_space<hbm>>) dst(%dma_wait3A_94 : memref<128xf32, #tpu.memory_space<vmem>>)
    %dma_wait3A_99 = arith.constant 512 : i32
    %dma_wait3A_100 = tpu.memref_slice %arg12[%dma_wait3A_99] : memref<1600xf32, #tpu.memory_space<vmem>> -> memref<128xf32, #tpu.memory_space<vmem>>
    %dma_wait3A_101 = arith.constant 512 : i32
    %dma_wait3A_102 = tpu.memref_slice %arg9[%dma_wait3A_101] : memref<1600xi32, #tpu.memory_space<vmem>> -> memref<128xi32, #tpu.memory_space<vmem>>
    %dma_wait3A_103 = arith.constant 0 : i32
    %dma_wait3A_104 = tpu.memref_slice %arg6[%dma_wait3A_103] : memref<1024xf32, #tpu.memory_space<hbm>> -> memref<1024xf32, #tpu.memory_space<hbm>>
    tpu.wait_indirect_dma semaphore(%arg26 : memref<!tpu.dma_semaphore, #tpu.memory_space<semaphore_mem>>) src(%dma_wait3A_104 : memref<1024xf32, #tpu.memory_space<hbm>>) dst(%dma_wait3A_100 : memref<128xf32, #tpu.memory_space<vmem>>)
    %dma_wait3A_105 = arith.constant 640 : i32
    %dma_wait3A_106 = tpu.memref_slice %arg11[%dma_wait3A_105] : memref<1600xf32, #tpu.memory_space<vmem>> -> memref<128xf32, #tpu.memory_space<vmem>>
    %dma_wait3A_107 = arith.constant 640 : i32
    %dma_wait3A_108 = tpu.memref_slice %arg10[%dma_wait3A_107] : memref<1600xi32, #tpu.memory_space<vmem>> -> memref<128xi32, #tpu.memory_space<vmem>>
    %dma_wait3A_109 = arith.constant 0 : i32
    %dma_wait3A_110 = tpu.memref_slice %arg3[%dma_wait3A_109] : memref<1000000xf32, #tpu.memory_space<hbm>> -> memref<1000000xf32, #tpu.memory_space<hbm>>
    tpu.wait_indirect_dma semaphore(%arg26 : memref<!tpu.dma_semaphore, #tpu.memory_space<semaphore_mem>>) src(%dma_wait3A_110 : memref<1000000xf32, #tpu.memory_space<hbm>>) dst(%dma_wait3A_106 : memref<128xf32, #tpu.memory_space<vmem>>)
    %dma_wait3A_111 = arith.constant 640 : i32
    %dma_wait3A_112 = tpu.memref_slice %arg12[%dma_wait3A_111] : memref<1600xf32, #tpu.memory_space<vmem>> -> memref<128xf32, #tpu.memory_space<vmem>>
    %dma_wait3A_113 = arith.constant 640 : i32
    %dma_wait3A_114 = tpu.memref_slice %arg9[%dma_wait3A_113] : memref<1600xi32, #tpu.memory_space<vmem>> -> memref<128xi32, #tpu.memory_space<vmem>>
    %dma_wait3A_115 = arith.constant 0 : i32
    %dma_wait3A_116 = tpu.memref_slice %arg6[%dma_wait3A_115] : memref<1024xf32, #tpu.memory_space<hbm>> -> memref<1024xf32, #tpu.memory_space<hbm>>
    tpu.wait_indirect_dma semaphore(%arg26 : memref<!tpu.dma_semaphore, #tpu.memory_space<semaphore_mem>>) src(%dma_wait3A_116 : memref<1024xf32, #tpu.memory_space<hbm>>) dst(%dma_wait3A_112 : memref<128xf32, #tpu.memory_space<vmem>>)
    %dma_wait3A_117 = arith.constant 768 : i32
    %dma_wait3A_118 = tpu.memref_slice %arg11[%dma_wait3A_117] : memref<1600xf32, #tpu.memory_space<vmem>> -> memref<128xf32, #tpu.memory_space<vmem>>
    %dma_wait3A_119 = arith.constant 768 : i32
    %dma_wait3A_120 = tpu.memref_slice %arg10[%dma_wait3A_119] : memref<1600xi32, #tpu.memory_space<vmem>> -> memref<128xi32, #tpu.memory_space<vmem>>
    %dma_wait3A_121 = arith.constant 0 : i32
    %dma_wait3A_122 = tpu.memref_slice %arg3[%dma_wait3A_121] : memref<1000000xf32, #tpu.memory_space<hbm>> -> memref<1000000xf32, #tpu.memory_space<hbm>>
    tpu.wait_indirect_dma semaphore(%arg26 : memref<!tpu.dma_semaphore, #tpu.memory_space<semaphore_mem>>) src(%dma_wait3A_122 : memref<1000000xf32, #tpu.memory_space<hbm>>) dst(%dma_wait3A_118 : memref<128xf32, #tpu.memory_space<vmem>>)
    %dma_wait3A_123 = arith.constant 768 : i32
    %dma_wait3A_124 = tpu.memref_slice %arg12[%dma_wait3A_123] : memref<1600xf32, #tpu.memory_space<vmem>> -> memref<128xf32, #tpu.memory_space<vmem>>
    %dma_wait3A_125 = arith.constant 768 : i32
    %dma_wait3A_126 = tpu.memref_slice %arg9[%dma_wait3A_125] : memref<1600xi32, #tpu.memory_space<vmem>> -> memref<128xi32, #tpu.memory_space<vmem>>
    %dma_wait3A_127 = arith.constant 0 : i32
    %dma_wait3A_128 = tpu.memref_slice %arg6[%dma_wait3A_127] : memref<1024xf32, #tpu.memory_space<hbm>> -> memref<1024xf32, #tpu.memory_space<hbm>>
    tpu.wait_indirect_dma semaphore(%arg26 : memref<!tpu.dma_semaphore, #tpu.memory_space<semaphore_mem>>) src(%dma_wait3A_128 : memref<1024xf32, #tpu.memory_space<hbm>>) dst(%dma_wait3A_124 : memref<128xf32, #tpu.memory_space<vmem>>)
    %dma_wait3A_129 = arith.constant 896 : i32
    %dma_wait3A_130 = tpu.memref_slice %arg11[%dma_wait3A_129] : memref<1600xf32, #tpu.memory_space<vmem>> -> memref<128xf32, #tpu.memory_space<vmem>>
    %dma_wait3A_131 = arith.constant 896 : i32
    %dma_wait3A_132 = tpu.memref_slice %arg10[%dma_wait3A_131] : memref<1600xi32, #tpu.memory_space<vmem>> -> memref<128xi32, #tpu.memory_space<vmem>>
    %dma_wait3A_133 = arith.constant 0 : i32
    %dma_wait3A_134 = tpu.memref_slice %arg3[%dma_wait3A_133] : memref<1000000xf32, #tpu.memory_space<hbm>> -> memref<1000000xf32, #tpu.memory_space<hbm>>
    tpu.wait_indirect_dma semaphore(%arg26 : memref<!tpu.dma_semaphore, #tpu.memory_space<semaphore_mem>>) src(%dma_wait3A_134 : memref<1000000xf32, #tpu.memory_space<hbm>>) dst(%dma_wait3A_130 : memref<128xf32, #tpu.memory_space<vmem>>)
    %dma_wait3A_135 = arith.constant 896 : i32
    %dma_wait3A_136 = tpu.memref_slice %arg12[%dma_wait3A_135] : memref<1600xf32, #tpu.memory_space<vmem>> -> memref<128xf32, #tpu.memory_space<vmem>>
    %dma_wait3A_137 = arith.constant 896 : i32
    %dma_wait3A_138 = tpu.memref_slice %arg9[%dma_wait3A_137] : memref<1600xi32, #tpu.memory_space<vmem>> -> memref<128xi32, #tpu.memory_space<vmem>>
    %dma_wait3A_139 = arith.constant 0 : i32
    %dma_wait3A_140 = tpu.memref_slice %arg6[%dma_wait3A_139] : memref<1024xf32, #tpu.memory_space<hbm>> -> memref<1024xf32, #tpu.memory_space<hbm>>
    tpu.wait_indirect_dma semaphore(%arg26 : memref<!tpu.dma_semaphore, #tpu.memory_space<semaphore_mem>>) src(%dma_wait3A_140 : memref<1024xf32, #tpu.memory_space<hbm>>) dst(%dma_wait3A_136 : memref<128xf32, #tpu.memory_space<vmem>>)
    %dma_wait3A_141 = arith.constant 1024 : i32
    %dma_wait3A_142 = tpu.memref_slice %arg11[%dma_wait3A_141] : memref<1600xf32, #tpu.memory_space<vmem>> -> memref<128xf32, #tpu.memory_space<vmem>>
    %dma_wait3A_143 = arith.constant 1024 : i32
    %dma_wait3A_144 = tpu.memref_slice %arg10[%dma_wait3A_143] : memref<1600xi32, #tpu.memory_space<vmem>> -> memref<128xi32, #tpu.memory_space<vmem>>
    %dma_wait3A_145 = arith.constant 0 : i32
    %dma_wait3A_146 = tpu.memref_slice %arg3[%dma_wait3A_145] : memref<1000000xf32, #tpu.memory_space<hbm>> -> memref<1000000xf32, #tpu.memory_space<hbm>>
    tpu.wait_indirect_dma semaphore(%arg26 : memref<!tpu.dma_semaphore, #tpu.memory_space<semaphore_mem>>) src(%dma_wait3A_146 : memref<1000000xf32, #tpu.memory_space<hbm>>) dst(%dma_wait3A_142 : memref<128xf32, #tpu.memory_space<vmem>>)
    %dma_wait3A_147 = arith.constant 1024 : i32
    %dma_wait3A_148 = tpu.memref_slice %arg12[%dma_wait3A_147] : memref<1600xf32, #tpu.memory_space<vmem>> -> memref<128xf32, #tpu.memory_space<vmem>>
    %dma_wait3A_149 = arith.constant 1024 : i32
    %dma_wait3A_150 = tpu.memref_slice %arg9[%dma_wait3A_149] : memref<1600xi32, #tpu.memory_space<vmem>> -> memref<128xi32, #tpu.memory_space<vmem>>
    %dma_wait3A_151 = arith.constant 0 : i32
    %dma_wait3A_152 = tpu.memref_slice %arg6[%dma_wait3A_151] : memref<1024xf32, #tpu.memory_space<hbm>> -> memref<1024xf32, #tpu.memory_space<hbm>>
    tpu.wait_indirect_dma semaphore(%arg26 : memref<!tpu.dma_semaphore, #tpu.memory_space<semaphore_mem>>) src(%dma_wait3A_152 : memref<1024xf32, #tpu.memory_space<hbm>>) dst(%dma_wait3A_148 : memref<128xf32, #tpu.memory_space<vmem>>)
    %dma_wait3A_153 = arith.constant 1152 : i32
    %dma_wait3A_154 = tpu.memref_slice %arg11[%dma_wait3A_153] : memref<1600xf32, #tpu.memory_space<vmem>> -> memref<128xf32, #tpu.memory_space<vmem>>
    %dma_wait3A_155 = arith.constant 1152 : i32
    %dma_wait3A_156 = tpu.memref_slice %arg10[%dma_wait3A_155] : memref<1600xi32, #tpu.memory_space<vmem>> -> memref<128xi32, #tpu.memory_space<vmem>>
    %dma_wait3A_157 = arith.constant 0 : i32
    %dma_wait3A_158 = tpu.memref_slice %arg3[%dma_wait3A_157] : memref<1000000xf32, #tpu.memory_space<hbm>> -> memref<1000000xf32, #tpu.memory_space<hbm>>
    tpu.wait_indirect_dma semaphore(%arg26 : memref<!tpu.dma_semaphore, #tpu.memory_space<semaphore_mem>>) src(%dma_wait3A_158 : memref<1000000xf32, #tpu.memory_space<hbm>>) dst(%dma_wait3A_154 : memref<128xf32, #tpu.memory_space<vmem>>)
    %dma_wait3A_159 = arith.constant 1152 : i32
    %dma_wait3A_160 = tpu.memref_slice %arg12[%dma_wait3A_159] : memref<1600xf32, #tpu.memory_space<vmem>> -> memref<128xf32, #tpu.memory_space<vmem>>
    %dma_wait3A_161 = arith.constant 1152 : i32
    %dma_wait3A_162 = tpu.memref_slice %arg9[%dma_wait3A_161] : memref<1600xi32, #tpu.memory_space<vmem>> -> memref<128xi32, #tpu.memory_space<vmem>>
    %dma_wait3A_163 = arith.constant 0 : i32
    %dma_wait3A_164 = tpu.memref_slice %arg6[%dma_wait3A_163] : memref<1024xf32, #tpu.memory_space<hbm>> -> memref<1024xf32, #tpu.memory_space<hbm>>
    tpu.wait_indirect_dma semaphore(%arg26 : memref<!tpu.dma_semaphore, #tpu.memory_space<semaphore_mem>>) src(%dma_wait3A_164 : memref<1024xf32, #tpu.memory_space<hbm>>) dst(%dma_wait3A_160 : memref<128xf32, #tpu.memory_space<vmem>>)
    %dma_wait3A_165 = arith.constant 1280 : i32
    %dma_wait3A_166 = tpu.memref_slice %arg11[%dma_wait3A_165] : memref<1600xf32, #tpu.memory_space<vmem>> -> memref<128xf32, #tpu.memory_space<vmem>>
    %dma_wait3A_167 = arith.constant 1280 : i32
    %dma_wait3A_168 = tpu.memref_slice %arg10[%dma_wait3A_167] : memref<1600xi32, #tpu.memory_space<vmem>> -> memref<128xi32, #tpu.memory_space<vmem>>
    %dma_wait3A_169 = arith.constant 0 : i32
    %dma_wait3A_170 = tpu.memref_slice %arg3[%dma_wait3A_169] : memref<1000000xf32, #tpu.memory_space<hbm>> -> memref<1000000xf32, #tpu.memory_space<hbm>>
    tpu.wait_indirect_dma semaphore(%arg26 : memref<!tpu.dma_semaphore, #tpu.memory_space<semaphore_mem>>) src(%dma_wait3A_170 : memref<1000000xf32, #tpu.memory_space<hbm>>) dst(%dma_wait3A_166 : memref<128xf32, #tpu.memory_space<vmem>>)
    %dma_wait3A_171 = arith.constant 1280 : i32
    %dma_wait3A_172 = tpu.memref_slice %arg12[%dma_wait3A_171] : memref<1600xf32, #tpu.memory_space<vmem>> -> memref<128xf32, #tpu.memory_space<vmem>>
    %dma_wait3A_173 = arith.constant 1280 : i32
    %dma_wait3A_174 = tpu.memref_slice %arg9[%dma_wait3A_173] : memref<1600xi32, #tpu.memory_space<vmem>> -> memref<128xi32, #tpu.memory_space<vmem>>
    %dma_wait3A_175 = arith.constant 0 : i32
    %dma_wait3A_176 = tpu.memref_slice %arg6[%dma_wait3A_175] : memref<1024xf32, #tpu.memory_space<hbm>> -> memref<1024xf32, #tpu.memory_space<hbm>>
    tpu.wait_indirect_dma semaphore(%arg26 : memref<!tpu.dma_semaphore, #tpu.memory_space<semaphore_mem>>) src(%dma_wait3A_176 : memref<1024xf32, #tpu.memory_space<hbm>>) dst(%dma_wait3A_172 : memref<128xf32, #tpu.memory_space<vmem>>)
    %dma_wait3A_177 = arith.constant 1408 : i32
    %dma_wait3A_178 = tpu.memref_slice %arg11[%dma_wait3A_177] : memref<1600xf32, #tpu.memory_space<vmem>> -> memref<128xf32, #tpu.memory_space<vmem>>
    %dma_wait3A_179 = arith.constant 1408 : i32
    %dma_wait3A_180 = tpu.memref_slice %arg10[%dma_wait3A_179] : memref<1600xi32, #tpu.memory_space<vmem>> -> memref<128xi32, #tpu.memory_space<vmem>>
    %dma_wait3A_181 = arith.constant 0 : i32
    %dma_wait3A_182 = tpu.memref_slice %arg3[%dma_wait3A_181] : memref<1000000xf32, #tpu.memory_space<hbm>> -> memref<1000000xf32, #tpu.memory_space<hbm>>
    tpu.wait_indirect_dma semaphore(%arg26 : memref<!tpu.dma_semaphore, #tpu.memory_space<semaphore_mem>>) src(%dma_wait3A_182 : memref<1000000xf32, #tpu.memory_space<hbm>>) dst(%dma_wait3A_178 : memref<128xf32, #tpu.memory_space<vmem>>)
    %dma_wait3A_183 = arith.constant 1408 : i32
    %dma_wait3A_184 = tpu.memref_slice %arg12[%dma_wait3A_183] : memref<1600xf32, #tpu.memory_space<vmem>> -> memref<128xf32, #tpu.memory_space<vmem>>
    %dma_wait3A_185 = arith.constant 1408 : i32
    %dma_wait3A_186 = tpu.memref_slice %arg9[%dma_wait3A_185] : memref<1600xi32, #tpu.memory_space<vmem>> -> memref<128xi32, #tpu.memory_space<vmem>>
    %dma_wait3A_187 = arith.constant 0 : i32
    %dma_wait3A_188 = tpu.memref_slice %arg6[%dma_wait3A_187] : memref<1024xf32, #tpu.memory_space<hbm>> -> memref<1024xf32, #tpu.memory_space<hbm>>
    tpu.wait_indirect_dma semaphore(%arg26 : memref<!tpu.dma_semaphore, #tpu.memory_space<semaphore_mem>>) src(%dma_wait3A_188 : memref<1024xf32, #tpu.memory_space<hbm>>) dst(%dma_wait3A_184 : memref<128xf32, #tpu.memory_space<vmem>>)
    %dma_wait3A_189 = arith.constant 1536 : i32
    %dma_wait3A_190 = tpu.memref_slice %arg11[%dma_wait3A_189] : memref<1600xf32, #tpu.memory_space<vmem>> -> memref<64xf32, #tpu.memory_space<vmem>>
    %dma_wait3A_191 = arith.constant 1536 : i32
    %dma_wait3A_192 = tpu.memref_slice %arg10[%dma_wait3A_191] : memref<1600xi32, #tpu.memory_space<vmem>> -> memref<64xi32, #tpu.memory_space<vmem>>
    %dma_wait3A_193 = arith.constant 0 : i32
    %dma_wait3A_194 = tpu.memref_slice %arg3[%dma_wait3A_193] : memref<1000000xf32, #tpu.memory_space<hbm>> -> memref<1000000xf32, #tpu.memory_space<hbm>>
    tpu.wait_indirect_dma semaphore(%arg26 : memref<!tpu.dma_semaphore, #tpu.memory_space<semaphore_mem>>) src(%dma_wait3A_194 : memref<1000000xf32, #tpu.memory_space<hbm>>) dst(%dma_wait3A_190 : memref<64xf32, #tpu.memory_space<vmem>>)
    %dma_wait3A_195 = arith.constant 1536 : i32
    %dma_wait3A_196 = tpu.memref_slice %arg12[%dma_wait3A_195] : memref<1600xf32, #tpu.memory_space<vmem>> -> memref<64xf32, #tpu.memory_space<vmem>>
    %dma_wait3A_197 = arith.constant 1536 : i32
    %dma_wait3A_198 = tpu.memref_slice %arg9[%dma_wait3A_197] : memref<1600xi32, #tpu.memory_space<vmem>> -> memref<64xi32, #tpu.memory_space<vmem>>
    %dma_wait3A_199 = arith.constant 0 : i32
    %dma_wait3A_200 = tpu.memref_slice %arg6[%dma_wait3A_199] : memref<1024xf32, #tpu.memory_space<hbm>> -> memref<1024xf32, #tpu.memory_space<hbm>>
    tpu.wait_indirect_dma semaphore(%arg26 : memref<!tpu.dma_semaphore, #tpu.memory_space<semaphore_mem>>) src(%dma_wait3A_200 : memref<1024xf32, #tpu.memory_space<hbm>>) dst(%dma_wait3A_196 : memref<64xf32, #tpu.memory_space<vmem>>)
    %broadcast_in_dim3A = arith.constant 0.000000e+00 : f32
    %broadcast_in_dim3A_201 = vector.broadcast %broadcast_in_dim3A : f32 to vector<16xf32>
    %scan3A_202 = arith.constant 0 : i32
    %scan3A_203 = arith.constant 100 : i32
    %scan3A_204 = arith.addi %scan3A_202, %scan3A_203 : i32
    %scan3A_205 = arith.constant 1 : i32
    %scan3A_206 = scf.for %scan3A_259 = %scan3A_202 to %scan3A_204 step %scan3A_205 iter_args(%scan3A_260 = %broadcast_in_dim3A_201) -> (vector<16xf32>)  : i32 {
      %mul3A_261 = arith.constant 16 : i32
      %mul3A_262 = arith.muli %scan3A_259, %mul3A_261 : i32
      %get3A = arith.index_cast %mul3A_262 : i32 to index
      %get3A_263 = tpu.vector_load %arg12[%get3A] {strides = array<i32>} : memref<1600xf32, #tpu.memory_space<vmem>>, vector<16xf32>,
      %get3A_264 = vector.shape_cast %get3A_263 : vector<16xf32> to vector<16xf32>
      %get3A_265 = arith.index_cast %mul3A_262 : i32 to index
      %get3A_266 = tpu.vector_load %arg11[%get3A_265] {strides = array<i32>} : memref<1600xf32, #tpu.memory_space<vmem>>, vector<16xf32>,
      %get3A_267 = vector.shape_cast %get3A_266 : vector<16xf32> to vector<16xf32>
      %sub3A = arith.subf %get3A_264, %get3A_267 : vector<16xf32>
      %add3A_268 = arith.addf %scan3A_260, %sub3A : vector<16xf32>
      scf.yield %add3A_268 : vector<16xf32>
    }
    %scan3A_207 = arith.constant 100 : i32
    %broadcast_in_dim3A_208 = arith.constant 0.000000e+00 : f32
    %broadcast_in_dim3A_209 = vector.broadcast %broadcast_in_dim3A_208 : f32 to vector<16xf32>
    %swap3A = arith.constant 0 : index
    %swap3A_210 = tpu.vector_load %arg17[%swap3A] {strides = array<i32>} : memref<128xf32, #tpu.memory_space<vmem>>, vector<16xf32>,
    %swap3A_211 = vector.shape_cast %swap3A_210 : vector<16xf32> to vector<16xf32>
    %swap3A_212 = vector.shape_cast %broadcast_in_dim3A_209 : vector<16xf32> to vector<16xf32>
    tpu.vector_store %arg17[%swap3A], %swap3A_212 {strides = array<i32>} : memref<128xf32, #tpu.memory_space<vmem>>, vector<16xf32>,
    %broadcast_in_dim3A_213 = arith.constant 0.000000e+00 : f32
    %broadcast_in_dim3A_214 = vector.broadcast %broadcast_in_dim3A_213 : f32 to vector<16xf32>
    %swap3A_215 = arith.constant 16 : index
    %swap3A_216 = tpu.vector_load %arg17[%swap3A_215] {strides = array<i32>} : memref<128xf32, #tpu.memory_space<vmem>>, vector<16xf32>,
    %swap3A_217 = vector.shape_cast %swap3A_216 : vector<16xf32> to vector<16xf32>
    %swap3A_218 = vector.shape_cast %broadcast_in_dim3A_214 : vector<16xf32> to vector<16xf32>
    tpu.vector_store %arg17[%swap3A_215], %swap3A_218 {strides = array<i32>} : memref<128xf32, #tpu.memory_space<vmem>>, vector<16xf32>,
    %broadcast_in_dim3A_219 = arith.constant 0.000000e+00 : f32
    %broadcast_in_dim3A_220 = vector.broadcast %broadcast_in_dim3A_219 : f32 to vector<16xf32>
    %swap3A_221 = arith.constant 32 : index
    %swap3A_222 = tpu.vector_load %arg17[%swap3A_221] {strides = array<i32>} : memref<128xf32, #tpu.memory_space<vmem>>, vector<16xf32>,
    %swap3A_223 = vector.shape_cast %swap3A_222 : vector<16xf32> to vector<16xf32>
    %swap3A_224 = vector.shape_cast %broadcast_in_dim3A_220 : vector<16xf32> to vector<16xf32>
    tpu.vector_store %arg17[%swap3A_221], %swap3A_224 {strides = array<i32>} : memref<128xf32, #tpu.memory_space<vmem>>, vector<16xf32>,
    %broadcast_in_dim3A_225 = arith.constant 0.000000e+00 : f32
    %broadcast_in_dim3A_226 = vector.broadcast %broadcast_in_dim3A_225 : f32 to vector<16xf32>
    %swap3A_227 = arith.constant 48 : index
    %swap3A_228 = tpu.vector_load %arg17[%swap3A_227] {strides = array<i32>} : memref<128xf32, #tpu.memory_space<vmem>>, vector<16xf32>,
    %swap3A_229 = vector.shape_cast %swap3A_228 : vector<16xf32> to vector<16xf32>
    %swap3A_230 = vector.shape_cast %broadcast_in_dim3A_226 : vector<16xf32> to vector<16xf32>
    tpu.vector_store %arg17[%swap3A_227], %swap3A_230 {strides = array<i32>} : memref<128xf32, #tpu.memory_space<vmem>>, vector<16xf32>,
    %broadcast_in_dim3A_231 = arith.constant 0.000000e+00 : f32
    %broadcast_in_dim3A_232 = vector.broadcast %broadcast_in_dim3A_231 : f32 to vector<16xf32>
    %swap3A_233 = arith.constant 64 : index
    %swap3A_234 = tpu.vector_load %arg17[%swap3A_233] {strides = array<i32>} : memref<128xf32, #tpu.memory_space<vmem>>, vector<16xf32>,
    %swap3A_235 = vector.shape_cast %swap3A_234 : vector<16xf32> to vector<16xf32>
    %swap3A_236 = vector.shape_cast %broadcast_in_dim3A_232 : vector<16xf32> to vector<16xf32>
    tpu.vector_store %arg17[%swap3A_233], %swap3A_236 {strides = array<i32>} : memref<128xf32, #tpu.memory_space<vmem>>, vector<16xf32>,
    %broadcast_in_dim3A_237 = arith.constant 0.000000e+00 : f32
    %broadcast_in_dim3A_238 = vector.broadcast %broadcast_in_dim3A_237 : f32 to vector<16xf32>
    %swap3A_239 = arith.constant 80 : index
    %swap3A_240 = tpu.vector_load %arg17[%swap3A_239] {strides = array<i32>} : memref<128xf32, #tpu.memory_space<vmem>>, vector<16xf32>,
    %swap3A_241 = vector.shape_cast %swap3A_240 : vector<16xf32> to vector<16xf32>
    %swap3A_242 = vector.shape_cast %broadcast_in_dim3A_238 : vector<16xf32> to vector<16xf32>
    tpu.vector_store %arg17[%swap3A_239], %swap3A_242 {strides = array<i32>} : memref<128xf32, #tpu.memory_space<vmem>>, vector<16xf32>,
    %broadcast_in_dim3A_243 = arith.constant 0.000000e+00 : f32
    %broadcast_in_dim3A_244 = vector.broadcast %broadcast_in_dim3A_243 : f32 to vector<16xf32>
    %swap3A_245 = arith.constant 96 : index
    %swap3A_246 = tpu.vector_load %arg17[%swap3A_245] {strides = array<i32>} : memref<128xf32, #tpu.memory_space<vmem>>, vector<16xf32>,
    %swap3A_247 = vector.shape_cast %swap3A_246 : vector<16xf32> to vector<16xf32>
    %swap3A_248 = vector.shape_cast %broadcast_in_dim3A_244 : vector<16xf32> to vector<16xf32>
    tpu.vector_store %arg17[%swap3A_245], %swap3A_248 {strides = array<i32>} : memref<128xf32, #tpu.memory_space<vmem>>, vector<16xf32>,
    %broadcast_in_dim3A_249 = arith.constant 0.000000e+00 : f32
    %broadcast_in_dim3A_250 = vector.broadcast %broadcast_in_dim3A_249 : f32 to vector<16xf32>
    %swap3A_251 = arith.constant 112 : index
    %swap3A_252 = tpu.vector_load %arg17[%swap3A_251] {strides = array<i32>} : memref<128xf32, #tpu.memory_space<vmem>>, vector<16xf32>,
    %swap3A_253 = vector.shape_cast %swap3A_252 : vector<16xf32> to vector<16xf32>
    %swap3A_254 = vector.shape_cast %broadcast_in_dim3A_250 : vector<16xf32> to vector<16xf32>
    tpu.vector_store %arg17[%swap3A_251], %swap3A_254 {strides = array<i32>} : memref<128xf32, #tpu.memory_space<vmem>>, vector<16xf32>,
    %swap3A_255 = arith.constant 0 : index
    %swap3A_256 = tpu.vector_load %arg17[%swap3A_255] {strides = array<i32>} : memref<128xf32, #tpu.memory_space<vmem>>, vector<16xf32>,
    %swap3A_257 = vector.shape_cast %swap3A_256 : vector<16xf32> to vector<16xf32>
    %swap3A_258 = vector.shape_cast %scan3A_206 : vector<16xf32> to vector<16xf32>
    tpu.vector_store %arg17[%swap3A_255], %swap3A_258 {strides = array<i32>} : memref<128xf32, #tpu.memory_space<vmem>>, vector<16xf32>,
    "tpu.region"() ({
      %run_scoped3A = tpu.sem_alloc : memref<!tpu.dma_semaphore, #tpu.memory_space<semaphore_mem>>
      %dma_start3A_259 = arith.constant 0 : i32
      %dma_start3A_260 = tpu.memref_slice %arg8[%add3A, %dma_start3A_259] : memref<32x128xf32, #tpu.memory_space<hbm>> -> memref<1x128xf32, #tpu.memory_space<hbm>>
      %dma_start3A_261 = tpu.memref_squeeze %dma_start3A_260 : memref<1x128xf32, #tpu.memory_space<hbm>> -> memref<128xf32, #tpu.memory_space<hbm>>
      %dma_start3A_262 = arith.constant 0 : i32
      %dma_start3A_263 = tpu.memref_slice %arg8[%add3A, %dma_start3A_262] : memref<32x128xf32, #tpu.memory_space<hbm>> -> memref<1x128xf32, #tpu.memory_space<hbm>>
      %dma_start3A_264 = tpu.memref_squeeze %dma_start3A_263 : memref<1x128xf32, #tpu.memory_space<hbm>> -> memref<128xf32, #tpu.memory_space<hbm>>
      tpu.enqueue_dma source(%arg17 : memref<128xf32, #tpu.memory_space<vmem>>) target(%dma_start3A_264 : memref<128xf32, #tpu.memory_space<hbm>>) target_semaphore(%run_scoped3A : memref<!tpu.dma_semaphore, #tpu.memory_space<semaphore_mem>>)
      %dma_wait3A_265 = arith.constant 0 : i32
      %dma_wait3A_266 = tpu.memref_slice %arg8[%add3A, %dma_wait3A_265] : memref<32x128xf32, #tpu.memory_space<hbm>> -> memref<1x128xf32, #tpu.memory_space<hbm>>
      %dma_wait3A_267 = tpu.memref_squeeze %dma_wait3A_266 : memref<1x128xf32, #tpu.memory_space<hbm>> -> memref<128xf32, #tpu.memory_space<hbm>>
      %dma_wait3A_268 = arith.constant 0 : i32
      %dma_wait3A_269 = tpu.memref_slice %arg8[%add3A, %dma_wait3A_268] : memref<32x128xf32, #tpu.memory_space<hbm>> -> memref<1x128xf32, #tpu.memory_space<hbm>>
      %dma_wait3A_270 = tpu.memref_squeeze %dma_wait3A_269 : memref<1x128xf32, #tpu.memory_space<hbm>> -> memref<128xf32, #tpu.memory_space<hbm>>
      tpu.wait_dma2 semaphore(%run_scoped3A : memref<!tpu.dma_semaphore, #tpu.memory_space<semaphore_mem>>) src(%arg17 : memref<128xf32, #tpu.memory_space<vmem>>) dst(%dma_wait3A_270 : memref<128xf32, #tpu.memory_space<hbm>>)
      tpu.yield
    }) : () -> ()
    return
  }
}

module attributes {stable_mosaic.version = 14 : i64} {
  func.func @_row_lse_body(%arg0: memref<1000x1000xf32, #tpu.memory_space<vmem>>, %arg1: memref<1000xf32, #tpu.memory_space<vmem>>) attributes {dimension_semantics = [], scalar_prefetch = 0 : i64, scratch_operands = 0 : i64, tpu.core_type = #tpu.core_type<tc>} {
    %get3A = arith.constant 0 : index
    %get3A_0 = arith.constant 0 : index
    %get3A_1 = vector.load %arg0[%get3A, %get3A_0] : memref<1000x1000xf32, #tpu.memory_space<vmem>>, vector<1000x1000xf32>
    %reduce_max3A = arith.constant dense<0xFF800000> : vector<1000xf32>
    %reduce_max3A_2 = vector.multi_reduction <maximumf>, %get3A_1, %reduce_max3A [1] : vector<1000x1000xf32> to vector<1000xf32>
    %broadcast_in_dim3A = vector.shape_cast %reduce_max3A_2 : vector<1000xf32> to vector<1000x1xf32>
    %sub3A = vector.broadcast %broadcast_in_dim3A : vector<1000x1xf32> to vector<1000x1000xf32>
    %sub3A_3 = arith.subf %get3A_1, %sub3A : vector<1000x1000xf32>
    %exp3A = math.exp %sub3A_3 : vector<1000x1000xf32>
    %reduce_sum3A = arith.constant dense<0.000000e+00> : vector<1000xf32>
    %reduce_sum3A_4 = vector.multi_reduction <add>, %exp3A, %reduce_sum3A [1] : vector<1000x1000xf32> to vector<1000xf32>
    %log3A = math.log %reduce_sum3A_4 : vector<1000xf32>
    %add3A = arith.addf %reduce_max3A_2, %log3A : vector<1000xf32>
    %swap3A = arith.constant 0 : index
    %swap3A_5 = vector.load %arg1[%swap3A] : memref<1000xf32, #tpu.memory_space<vmem>>, vector<1000xf32>
    tpu.vector_store %arg1[%swap3A], %add3A {strides = array<i32>} : memref<1000xf32, #tpu.memory_space<vmem>>, vector<1000xf32>,
    return
  }
}

module attributes {stable_mosaic.version = 14 : i64} {
  func.func @_finalize_body(%arg0: memref<32x128xf32, #tpu.memory_space<vmem>>, %arg1: memref<1x1xf32, #tpu.memory_space<vmem>>) attributes {dimension_semantics = [], scalar_prefetch = 0 : i64, scratch_operands = 0 : i64, tpu.core_type = #tpu.core_type<tc>} {
    %get3A = arith.constant 0 : index
    %get3A_0 = arith.constant 0 : index
    %get3A_1 = vector.load %arg0[%get3A, %get3A_0] : memref<32x128xf32, #tpu.memory_space<vmem>>, vector<32x128xf32>
    %reduce_sum3A = vector.shape_cast %get3A_1 : vector<32x128xf32> to vector<1x32x128xf32>
    %reduce_sum3A_2 = arith.constant dense<0.000000e+00> : vector<1xf32>
    %reduce_sum3A_3 = vector.multi_reduction <add>, %reduce_sum3A, %reduce_sum3A_2 [1, 2] : vector<1x32x128xf32> to vector<1xf32>
    %reduce_sum3A_4 = vector.shape_cast %reduce_sum3A_3 : vector<1xf32> to vector<1x1x1xf32>
    %reduce_sum3A_5 = vector.extract %reduce_sum3A_4[0, 0, 0] : f32 from vector<1x1x1xf32>
    %broadcast_in_dim3A = vector.broadcast %reduce_sum3A_5 : f32 to vector<1x1xf32>
    %mul3A = arith.constant 1.95312496E-5 : f32
    %mul3A_6 = vector.broadcast %mul3A : f32 to vector<1x1xf32>
    %mul3A_7 = arith.mulf %broadcast_in_dim3A, %mul3A_6 : vector<1x1xf32>
    %swap3A = arith.constant 0 : index
    %swap3A_8 = arith.constant 0 : index
    %swap3A_9 = vector.load %arg1[%swap3A, %swap3A_8] : memref<1x1xf32, #tpu.memory_space<vmem>>, vector<1x1xf32>
    tpu.vector_store %arg1[%swap3A, %swap3A_8], %mul3A_7 {strides = array<i32>} : memref<1x1xf32, #tpu.memory_space<vmem>>, vector<1x1xf32>,
    return
  }
}

</mosaic_0001>

<sc_bundles>
// kernel: kernel.5.cloned.1.call-start
scs
__scs_entry_jumppad:
0x0: {  	(pc) =	sbr.rel $0x88, $3  }
0x1: {  	(tag) =	ssettag $0x0;
	lr =	simm.s32 $0x1  }
0x2: {  	[smem:$0x3F9E] =	sst lr;
	_ =	strace $0xD0000000  }
0x3: {  	_ = 	snop  }
0x4: {  	_ = 	snop  }
0x5: {  	_ = 	snop  }
0x6: {  	_ = 	snop  }
0x7: {  	_ = 	snop  }
__scs_overlays_trampoline_lowered:
0x8: {  	[smem:$0x3FAD] =	sst s0  }
0x9: {  	[smem:$0x3FAE] =	sst s1  }
0xa: {  	[smem:$0x3FAF] =	sst s2  }
0xb: {  	[smem:$0x3FB0] =	sst s3  }
0xc: {  	[smem:$0x3FB1] =	sst s4  }
0xd: {  	[smem:$0x3FB2] =	sst s5  }
0xe: {  	[smem:$0x3FB3] =	sst s6  }
0xf: {  	[smem:$0x3FB4] =	sst s7  }
0x10: {  	[smem:$0x3FB5] =	sst s8  }
0x11: {  	[smem:$0x3FB6] =	sst s9;
	s0 =	simm.s32 @!p0 $0x0  }
0x12: {  	s1 =	sld [smem:$0x3F9C];
	s0 =	simm.s32 @p0 $0x1  }
0x13: {  	[smem:$0x3FB7] =	sst s0;
	s0 =	simm.s32 @!p1 $0x0  }
0x14: {  	s2 =	sld [smem:$0x3F9B];
	s0 =	simm.s32 @p1 $0x1  }
0x15: {  	[smem:$0x3FB8] =	sst s0;
	s0 =	simm.s32 @!p2 $0x0  }
0x16: {  	s3 =	sld [smem:$0x3FDB];
	s0 =	simm.s32 @p2 $0x1  }
0x17: {  	s4 =	simm.s32 $0x1BF5;
	[smem:$0x3FBA] =	sst s0  }
0x18: {  	s0 =	sld [smem:$0x3F9D];
	_ =	swait.ge [sflag:s4], $0x0  }
0x19: {  	s7 =	sld [smem:$0x3F9E]  }
0x1a: {  	s8 =	sadd.s32 $0xFFFFE003, lr  }
0x1b: {  	s9 =	sadd.s32 $0xFFFFFEF7, lr;
	s5 =	simm.s32 $0xFFFFFFFF;
	p2 =	slt.u32 s8, $0xFFFFF086  }
0x1c: {  	p1 =	slt.u32 s9, $0xF7A;
	s5 =	simm.s32 @!p2 $0x0  }
0x1d: {  	s5 =	simm.s32 @p1 $0x1;
	p0 =	seq.s32 s7, s2  }
0x1e: {  	s7 =	smul.u32 @!p0 $0xF7A, s2;
	p2 =	seq.s32 @!p0 s5, $0x0  }
0x1f: {  	s9 =	smul.u32 $0xF7A, s1;
	s8 =	simm.s32 @!p0 $0x1BF5;
	p2 =	por !p2, p0  }
0x20: {  	[sflag:s8] =	ssyncset.s32 @!p0 $0xFFFFF086;
	s6 =	sadd.s32 @!p0 s3, s7;
	s7 =	simm.s32 @!p0 $0x108  }
0x21: {  	s3 =	sadd.s32 s3, s9;
	s6 =	sadd.s32 @!p0 $0x88, s6;
	s7 =	simm.s32 @p2 $0x1082  }
0x22: {  	[simem:s7], [sflag:s8] =	dma.local @!p0 [hbm:s6], $0xF7A  }
0x23: {  	s9 =	sor.u32 $0xD0000000, s2;
	s6 =	simm.s32 $0x108;
	_ =	swait.ge @!p0 [sflag:s8], $0x0  }
0x24: {  	s3 =	sadd.s32 $0x88, s3;
	s6 =	simm.s32 @!p1 $0x1082;
	[sflag:s4] =	ssyncset.s32 $0xFFFFF086  }
0x25: {  	[simem:s6], [sflag:s4] =	dma.local [hbm:s3], $0xF7A  }
0x26: {  	[smem:$0x3F9E] =	sst s1;
	(tag) =	ssettag s2;
	_ =	strace s9  }
0x27: {  	s1 =	sld [smem:$0x3FAE]  }
0x28: {  	s2 =	sld [smem:$0x3FAF]  }
0x29: {  	s4 =	sld [smem:$0x3FB1]  }
0x2a: {  	p0 =	seq.s32 s5, $0x0;
	s5 =	sld [smem:$0x3FB2]  }
0x2b: {  	s6 =	sld [smem:$0x3FB3]  }
0x2c: {  	s7 =	sld [smem:$0x3FB4]  }
0x2d: {  	s3 =	simm.s32 $0x108;
	s8 =	sld [smem:$0x3FB5]  }
0x2e: {  	s3 =	simm.s32 @!p0 $0x1082;
	s9 =	sld [smem:$0x3FB6]  }
0x2f: {  	lr =	sadd.s32 s0, s3;
	s0 =	sld [smem:$0x3FAD]  }
0x30: {  	s3 =	sld [smem:$0x3FB0]  }
0x31: {  	[smem:$0x3FB9] =	sst s10  }
0x32: {  	s10 =	sld [smem:$0x3FB7];
	_ =	sdelay $0x3  }
0x33: {  	p0 =	seq.s32 s10, $0x1;
	s10 =	sld [smem:$0x3FB9];
	_ =	sdelay $0x3  }
0x34: {  	[smem:$0x3FB9] =	sst s10  }
0x35: {  	s10 =	sld [smem:$0x3FB8];
	_ =	sdelay $0x3  }
0x36: {  	p1 =	seq.s32 s10, $0x1;
	s10 =	sld [smem:$0x3FB9];
	_ =	sdelay $0x3  }
0x37: {  	[smem:$0x3FB9] =	sst s10  }
0x38: {  	s10 =	sld [smem:$0x3FBA]  }
0x39: {  	_ = 	snop;
	(pc) =	sbr.ind lr, $3  }
0x3a: {  	_ = 	snop  }
0x3b: {  	_ = 	snop  }
0x3c: {  	p2 =	seq.s32 s10, $0x1;
	s10 =	sld [smem:$0x3FB9]  }
0x3d: {  	_ =	shalt  }
0x3e: {  	_ =	shalt  }
0x3f: {  	_ =	shalt  }
0x40: {  	_ =	shalt  }
0x41: {  	_ =	shalt  }
0x42: {  	_ =	shalt  }
0x43: {  	_ =	shalt  }
0x44: {  	_ =	shalt  }
0x45: {  	_ =	shalt  }
0x46: {  	_ =	shalt  }
0x47: {  	_ =	shalt  }
0x48: {  	_ =	shalt  }
0x49: {  	_ =	shalt  }
0x4a: {  	_ =	shalt  }
0x4b: {  	_ =	shalt  }
0x4c: {  	_ =	shalt  }
0x4d: {  	_ =	shalt  }
0x4e: {  	_ =	shalt  }
0x4f: {  	_ =	shalt  }
0x50: {  	_ =	shalt  }
0x51: {  	_ =	shalt  }
0x52: {  	_ =	shalt  }
0x53: {  	_ =	shalt  }
0x54: {  	_ =	shalt  }
0x55: {  	_ =	shalt  }
0x56: {  	_ =	shalt  }
0x57: {  	_ =	shalt  }
0x58: {  	_ =	shalt  }
0x59: {  	_ =	shalt  }
0x5a: {  	_ =	shalt  }
0x5b: {  	_ =	shalt  }
0x5c: {  	_ =	shalt  }
0x5d: {  	_ =	shalt  }
0x5e: {  	_ =	shalt  }
0x5f: {  	_ =	shalt  }
0x60: {  	_ =	shalt  }
0x61: {  	_ =	shalt  }
0x62: {  	_ =	shalt  }
0x63: {  	_ =	shalt  }
0x64: {  	_ =	shalt  }
0x65: {  	_ =	shalt  }
0x66: {  	_ =	shalt  }
0x67: {  	_ =	shalt  }
0x68: {  	_ =	shalt  }
0x69: {  	_ =	shalt  }
0x6a: {  	_ =	shalt  }
0x6b: {  	_ =	shalt  }
0x6c: {  	_ =	shalt  }
0x6d: {  	_ =	shalt  }
0x6e: {  	_ =	shalt  }
0x6f: {  	_ =	shalt  }
0x70: {  	_ =	shalt  }
0x71: {  	_ =	shalt  }
0x72: {  	_ =	shalt  }
0x73: {  	_ =	shalt  }
0x74: {  	_ =	shalt  }
0x75: {  	_ =	shalt  }
0x76: {  	_ =	shalt  }
0x77: {  	_ =	shalt  }
0x78: {  	_ =	shalt  }
0x79: {  	_ =	shalt  }
0x7a: {  	_ =	shalt  }
0x7b: {  	_ =	shalt  }
0x7c: {  	_ =	shalt  }
0x7d: {  	_ =	shalt  }
0x7e: {  	_ =	shalt  }
0x7f: {  	_ =	shalt  }
0x80: {  	_ =	shalt  }
0x81: {  	_ =	shalt  }
0x82: {  	_ =	shalt  }
0x83: {  	_ =	shalt  }
0x84: {  	_ =	shalt  }
0x85: {  	_ =	shalt  }
0x86: {  	_ =	shalt  }
0x87: {  	_ =	shalt  }
.Lfunc_end0:
.L_simem_size_0:
called_computation.1_lowered:
.L_overlay_start_0:
0x88: {  	s2 =	sld [smem:$0x3FD9]  }
0x89: {  	s3 =	sld [smem:$0x3FFE];
	_ =	sdelay $0x1  }
0x8a: {  	s1 =	srdreg.scid  }
0x8b: {  	s0 =	sand.u32 $0x1, s1  }
0x8c: {  	s14 =	sshll.u32 s0, $0xA;
	s2 =	sadd.s32 s3, s2  }
0x8d: {  	s2 =	sadd.s32 s2, s14  }
0x8e: {  	[smem:$0x3FC5] =	sst s2  }
0x8f: {  	_ = 	snop  }
0x90: {  	s2 =	sld [smem:$0x3FD0];
	_ =	sdelay $0x2  }
0x91: {  	s15 =	simm.s32 $0xA;
	s4 =	simm.s32 $0x10  }
0x92: {  	[smem:s4], [sflag:s15] =	dma.local [hbm:s2], $0x1  }
0x93: {  	_ =	swait.eq [sflag:s15], $0x1  }
0x94: {  	[sflag:s15] =	ssyncset.done $0x0  }
0x95: {  	[sflag:s15] =	ssyncadd.s32 $0xFFFFFFFF  }
0x96: {  	s16 =	sld [smem:$0x10];
	(tm) =	ssettm $0x1  }
0x97: {  	s17 =	sld [smem:$0x3FFB];
	_ =	sdelay $0x3  }
0x98: {  	_ =	strace s17  }
0x99: {  	s3 =	sld [smem:$0x3FFC];
	_ =	sdelay $0x3  }
0x9a: {  	_ =	strace s3  }
0x9b: {  	s3 =	sld [smem:$0x3FFD];
	_ =	sdelay $0x3  }
0x9c: {  	_ =	strace s3  }
0x9d: {  	_ =	strace $0x8FFFFFFF  }
0x9e: {  	s18 =	sld [smem:$0x3FDB];
	_ =	sdelay $0x1  }
0x9f: {  	s19 =	simm.s32 $_scs_section_size  }
0xa0: {  	s5 =	simm.s32 $_size__tile_overlayer_lowered;
	s6 =	simm.s32 $_tile_overlayer_lowered  }
0xa1: {  	s22 =	simm.s32 $0x1BFF;
	s21 =	sshll.u32 s6, $0x1;
	s3 =	sadd.s32 s19, s18  }
0xa2: {  	s7 =	simm.s32 $0x0;
	s20 =	sshll.u32 s5, $0x1;
	s5 =	sadd.s32 s21, s3  }
0xa3: {  	[timem:s7], [sflag:s22] =	dma.local [hbm:s5], s20  }
0xa4: {  	_ =	swait.ge [sflag:s22], s20  }
0xa5: {  	s4 =	ssub.s32 $0x0, s20;
	[sflag:s22] =	ssyncset.done $0x0  }
0xa6: {  	[sflag:s22] =	ssyncadd.s32 s4;
	_ =	sdelay $0x1  }
0xa7: {  	s23 =	simm.s32 $0x1B8B  }
0xa8: {  	_ =	swait.ge [sflag:s23], $0x1  }
0xa9: {  	[sflag:s23] =	ssyncset.done $0x0  }
0xaa: {  	s25 =	simm.s32 $0x1B8E;
	s24 =	sld [smem:$0x3FFE];
	[sflag:s23] =	ssyncadd.s32 $0xFFFFFFFF  }
0xab: {  	s26 =	simm.s32 $execute0_lowered;
	[smem:$0x3FD2] =	sst s25  }
0xac: {  	s5 =	sshll.u32 s26, $0x1;
	_ =	strace $0x80000046;
	[dreg:$0x1] =	wrdreg $0xFFFFFFFF  }
0xad: {  	s28 =	simm.s32 $_size_execute0_lowered;
	s3 =	sadd.s32 s3, s5;
	[dreg:$0x0] =	wrdreg $0x0  }
0xae: {  	s5 =	sshll.u32 s28, $0x1;
	[dreg:$0x2] =	wrdreg s3  }
0xaf: {  	[dreg:$0x3] =	wrdreg s5  }
0xb0: {  	[dreg:$0x4] =	wrdreg $0xC0  }
0xb1: {  	_ =	task [dreg:s7], $0x5FFFF  }
0xb2: {  	[dreg:$0x1] =	wrdreg $0xFFFFFFFF  }
0xb3: {  	[dreg:$0x0] =	wrdreg $0x60  }
0xb4: {  	[dreg:$0x2] =	wrdreg s16  }
0xb5: {  	[dreg:$0x3] =	wrdreg s24  }
0xb6: {  	[dreg:$0x4] =	wrdreg $0x9  }
0xb7: {  	_ =	task.clear_ibuf [dreg:s7], $0x5FFFF;
	_ =	strace $0x90000046  }
0xb8: {  	s29 =	simm.s32 $0x9;
	_ =	strace $0x80000048  }
0xb9: {  	_ =	swait.ge [sflag:s29], $0x1  }
0xba: {  	[sflag:s29] =	ssyncadd.s32 $0xFFFFFFFF  }
0xbb: {  	_ =	strace $0x90000048  }
0xbc: {  	_ =	sfence  }
0xbd: {  	s30 =	sld [smem:$0x0];
	_ =	sdelay $0x2  }
0xbe: {  	s31 =	sshll.u32 s1, $0xD;
	s1 =	sshrl.u32 s1, $0x2  }
0xbf: {  	s3 =	sand.u32 $0x4000, s31;
	s1 =	sadd.s32 s1, s30  }
0xc0: {  	s0 =	sor.u32 s3, s0;
	s1 =	sshll.u32 s1, $0x11  }
0xc1: {  	s0 =	sor.u32 s1, s0  }
0xc2: {  	s0 =	sadd.s32 $0x8F2B, s0  }
0xc3: {  	[sflag:s0] =	ssyncadd.remote.s32 $0x1  }
0xc4: {  	_ =	sfence.sel $0xFFFF  }
0xc5: {  	[dreg:$0x0] =	wrdreg $0xFFFFFFFF;
	(pc) =	sbr.abs _section_cstart, $3  }
0xc6: {  	[dreg:$0x1] =	wrdreg $0xFFFFFFFF  }
0xc7: {  	_ =	task.clear_ibuf [dreg:s7], $0x2FFFF;
	_ =	strace $0x9FFFFFFF  }
0xc8: {  	(tm) =	ssettm $0x7FFFFFFF  }
0xc9: {  	_ =	shalt  }
tec
execute0_lowered:
.L_overlay_start_1:
0x0: {  	(tag) =	ssettag $0x1  }
0x1: {  	s0 =	srdreg.scid;
	s2 =	rddreg [dreg:$0x0]  }
0x2: {  	s10 =	stileid.u32;
	s6 =	rddreg [dreg:$0x1];
	s3 =	simm.s32 $0x0  }
0x3: {  	s21 =	simm.s32 $0x9A00;
	s31 =	simm.s32 $0x1;
	s13 =	simm.s32 $0x2  }
0x4: {  	s17 =	simm.s32 $0x5;
	s19 =	simm.s32 $0x3;
	s0 =	sand.u32 $0x1, s0  }
0x5: {  	s1 =	sshll.u32 s10, $0x1;
	[smem:$0x7FF] =	sst s3;
	s12 =	smul.u32 $0x320000, s10  }
0x6: {  	s8 =	sadd.s32 $0x23600, s6;
	s9 =	sadd.s32 $0x100, s2;
	s26 =	smul.u32 $0x64000, s10  }
0x7: {  	s10 =	sadd.s32 $0x200, s2;
	s11 =	sadd.s32 $0x300, s2;
	s1 =	sor.u32 s0, s1  }
0x8: {  	_ =	strace $0x80000047;
	[dreg:$0x3] =	wrdreg s8;
	s25 =	smul.u32 $0x190000, s0  }
0x9: {  	s22 =	ssub.s32 $0x2, s0;
	s0 =	smul.u32 $0x32000, s0;
	s8 =	simm.s32 $0x10A00  }
0xa: {  	s4 =	smul.u32 $0x640, s1;
	s1 =	sshll.u32 s1, $0x4;
	s23 =	sshrl.u32 s22, $0x1  }
0xb: {  	s1 =	sadd.s32 s1, s6;
	s29 =	sadd.s32 s25, s12;
	s15 =	sadd.s32 s0, s26  }
0xc: {  	s12 =	simm.s32 $0x11200;
	s25 =	simm.s32 $0x9;
	s5 =	sshrl.u32 s4, $0x3  }
0xd: {  	s4 =	sadd.s32 $0x1400, s6;
	s1 =	sadd.s32 $0x23400, s1;
	s14 =	sshrl.u32 s29, $0x3  }
0xe: {  	s30 =	sor.u32 $0xC000, s29;
	s7 =	sadd.s32 s5, s6;
	s5 =	sadd.s32 $0x1FE00, s6  }
0xf: {  	s6 =	ssub.s32 s22, s23;
	[dreg:$0x6] =	wrdreg s1;
	s16 =	sshrl.u32 s30, $0x3  }
0x10: {  	s1 =	simm.s32 $0xDA00;
	s22 =	simm.s32 $0x6;
	s24 =	sadd.s32 $0x20000, s7  }
0x11: {  	v2 =	vlaneseq.u32;
	s23 =	simm.s32 $0x4;
	s7 =	sadd.s32 $0x21A00, s7;
	[dreg:$0x4] =	wrdreg s24  }
0x12: {  	vm0 =	vmmov $0xffff;
	v3 =	vimm.f32 $0.0e+00;
	v1 =	vshrl.u32 v2, $0x3;
	s28 =	smax.u32 s6, $0x1;
	s6 =	simm.s32 $0xA;
	[dreg:$0x5] =	wrdreg s7  }
0x13: {  	v0 =	vand.u32 $0x7, v2;
	v2 =	vor.u32 $0x8, v2;
	v1 =	vmul.u32 $0x8, v1;
	[dreg:$0x7] =	wrdreg s28;
	s24 =	simm.s32 $0x7;
	s7 =	simm.s32 $0x0  }
.LBB2_1:
0x14: {  	[dreg:$0x8] =	wrdreg s7  }
0x15: {  	s0 =	rddreg [dreg:$0x4]  }
0x16: {  	[tilespmem:s3], [sflag:$0xA] =	stream.linear.gather [hbm4b:s0+s3], $0x640, $0x38;
	[tilespmem:$0x11A80] =	vst v63  }
0x17: {  	_ =	swait.ge [sflag:s6], $0x640  }
0x18: {  	[sflag:s6] =	ssyncset.done $0x0  }
0x19: {  	s30 =	simm.s32 $0x680;
	s29 =	rddreg [dreg:$0x5];
	[sflag:s6] =	ssyncadd.s32 $0xFFFFF9C0  }
0x1a: {  	[tilespmem:s30], [sflag:$0xA] =	stream.linear.gather [hbm4b:s29+s3], $0x640, $0x38;
	[tilespmem:$0x11A80] =	vst v63  }
0x1b: {  	_ =	swait.ge [sflag:s6], $0x640  }
0x1c: {  	[sflag:s6] =	ssyncset.done $0x0  }
0x1d: {  	s0 =	simm.s32 $0x0;
	[sflag:s6] =	ssyncadd.s32 $0xFFFFF9C0  }
0x1e: {  	v5 =	vld [tilespmem:s0+$0x0];
	_ =	sdelay $0x1  }
0x1f: {  	v4 =	vld [tilespmem:s0+$0x680];
	_ =	sdelay $0x2  }
0x20: {  	v5 =	vmul.u32 $0x3E8, v5  }
0x21: {  	s26 =	simm.s32 $0x10;
	s28 =	simm.s32 $0x80  }
.LBB2_2:
0x22: {  	p0 =	sne.s32 s28, $0x18C0;
	v6 =	vld [tilespmem:s26+$0x0];
	v4 =	vadd.s32 v4, v5  }
0x23: {  	[tilespmem:s0+$0x680] =	vst v4;
	s0 =	smov.u32 s26  }
.Ltmp0:
0x24: {  	v4 =	vld [tilespmem:s0+$0x680];
	(pc) =	sbr.rel @p0 .LBB2_2-.Ltmp0, $3  }
0x25: {  	_ =	sdelay $0x1  }
0x26: {  	v5 =	vmul.u32 $0x3E8, v6  }
0x27: {  	s26 =	sshra.s32 s28, $0x2;
	s28 =	sadd.s32 $0x40, s28  }
0x28: {  	v6 =	vld [tilespmem:s26+$0x0];
	v4 =	vadd.s32 v4, v5  }
0x29: {  	[tilespmem:s0+$0x680] =	vst v4  }
0x2a: {  	v4 =	vld [tilespmem:s26+$0x680];
	_ =	sdelay $0x2  }
0x2b: {  	v5 =	vmul.u32 $0x3E8, v6;
	_ =	sdelay $0x1  }
0x2c: {  	v4 =	vadd.s32 v4, v5  }
0x2d: {  	[tilespmem:s26+$0x680] =	vst v4  }
0x2e: {  	v4 =	vld [tilespmem:$0x0];
	_ =	sdelay $0x4  }
0x2f: {  	v5 =	vshll.u32 v4, $0x3  }
0x30: {  	v4 =	vand.u32 $0x7, v4;
	v5 =	vand.u32 $0xFFFFFFC0, v5  }
0x31: {  	v4 =	vor.u32 v4, v5  }
0x32: {  	v5 =	vperm.xlane v4, v0;
	_ =	sdelay $0x1  }
0x33: {  	v5 =	vadd.s32 v1, v5;
	_ =	sdelay $0x3  }
0x34: {  	s7 =	simm.s32 $0x1A00;
	s26 =	simm.s32 $0x0  }
0x35: {  	[tilespmem:s7], [sflag:$0x1] =	stream.indirect_vreg.gather [hbm4b:s2+s26], $0x80, v5, vm0, $0xb8;
	[tilespmem:$0x11A80] =	vst v63  }
0x36: {  	s18 =	simm.s32 $0x2200;
	v4 =	vperm.xlane v4, v2  }
0x37: {  	[tilespmem:s18], [sflag:$0x1] =	stream.indirect_vreg.gather [hbm4b:s9+s26], $0x80, v5, vm0, $0xb8;
	[tilespmem:$0x11A80] =	vst v63  }
0x38: {  	s20 =	simm.s32 $0x2A00;
	v4 =	vadd.s32 v1, v4  }
0x39: {  	[tilespmem:s20], [sflag:$0x1] =	stream.indirect_vreg.gather [hbm4b:s10+s26], $0x80, v5, vm0, $0xb8;
	[tilespmem:$0x11A80] =	vst v63  }
0x3a: {  	s6 =	simm.s32 $0x3200  }
0x3b: {  	[tilespmem:s6], [sflag:$0x1] =	stream.indirect_vreg.gather [hbm4b:s11+s26], $0x80, v5, vm0, $0xb8;
	[tilespmem:$0x11A80] =	vst v63  }
0x3c: {  	s7 =	simm.s32 $0x3A00  }
0x3d: {  	[tilespmem:s7], [sflag:$0x1] =	stream.indirect_vreg.gather [hbm4b:s2+s26], $0x80, v4, vm0, $0xb8;
	[tilespmem:$0x11A80] =	vst v63  }
0x3e: {  	s18 =	simm.s32 $0x4200  }
0x3f: {  	[tilespmem:s18], [sflag:$0x1] =	stream.indirect_vreg.gather [hbm4b:s9+s26], $0x80, v4, vm0, $0xb8;
	[tilespmem:$0x11A80] =	vst v63  }
0x40: {  	s20 =	simm.s32 $0x4A00  }
0x41: {  	[tilespmem:s20], [sflag:$0x1] =	stream.indirect_vreg.gather [hbm4b:s10+s26], $0x80, v4, vm0, $0xb8;
	[tilespmem:$0x11A80] =	vst v63  }
0x42: {  	s6 =	simm.s32 $0x5200  }
0x43: {  	[tilespmem:s6], [sflag:$0x1] =	stream.indirect_vreg.gather [hbm4b:s11+s26], $0x80, v4, vm0, $0xb8;
	[tilespmem:$0x11A80] =	vst v63  }
0x44: {  	v4 =	vld [tilespmem:$0x10];
	_ =	sdelay $0x4  }
0x45: {  	v5 =	vshll.u32 v4, $0x3  }
0x46: {  	v4 =	vand.u32 $0x7, v4;
	v5 =	vand.u32 $0xFFFFFFC0, v5  }
0x47: {  	v4 =	vor.u32 v4, v5  }
0x48: {  	v5 =	vperm.xlane v4, v0;
	_ =	sdelay $0x1  }
0x49: {  	v5 =	vadd.s32 v1, v5;
	_ =	sdelay $0x3  }
0x4a: {  	s7 =	simm.s32 $0x5A00  }
0x4b: {  	[tilespmem:s7], [sflag:$0x2] =	stream.indirect_vreg.gather [hbm4b:s2+s26], $0x80, v5, vm0, $0xb8;
	[tilespmem:$0x11A80] =	vst v63  }
0x4c: {  	s18 =	simm.s32 $0x6200;
	v4 =	vperm.xlane v4, v2  }
0x4d: {  	[tilespmem:s18], [sflag:$0x2] =	stream.indirect_vreg.gather [hbm4b:s9+s26], $0x80, v5, vm0, $0xb8;
	[tilespmem:$0x11A80] =	vst v63  }
0x4e: {  	s20 =	simm.s32 $0x6A00;
	v4 =	vadd.s32 v1, v4  }
0x4f: {  	[tilespmem:s20], [sflag:$0x2] =	stream.indirect_vreg.gather [hbm4b:s10+s26], $0x80, v5, vm0, $0xb8;
	[tilespmem:$0x11A80] =	vst v63  }
0x50: {  	s6 =	simm.s32 $0x7200  }
0x51: {  	[tilespmem:s6], [sflag:$0x2] =	stream.indirect_vreg.gather [hbm4b:s11+s26], $0x80, v5, vm0, $0xb8;
	[tilespmem:$0x11A80] =	vst v63  }
0x52: {  	s7 =	simm.s32 $0x7A00  }
0x53: {  	[tilespmem:s7], [sflag:$0x2] =	stream.indirect_vreg.gather [hbm4b:s2+s26], $0x80, v4, vm0, $0xb8;
	[tilespmem:$0x11A80] =	vst v63  }
0x54: {  	s18 =	simm.s32 $0x8200  }
0x55: {  	[tilespmem:s18], [sflag:$0x2] =	stream.indirect_vreg.gather [hbm4b:s9+s26], $0x80, v4, vm0, $0xb8;
	[tilespmem:$0x11A80] =	vst v63  }
0x56: {  	s20 =	simm.s32 $0x8A00  }
0x57: {  	[tilespmem:s20], [sflag:$0x2] =	stream.indirect_vreg.gather [hbm4b:s10+s26], $0x80, v4, vm0, $0xb8;
	[tilespmem:$0x11A80] =	vst v63  }
0x58: {  	s6 =	simm.s32 $0x9200  }
0x59: {  	[tilespmem:s6], [sflag:$0x2] =	stream.indirect_vreg.gather [hbm4b:s11+s26], $0x80, v4, vm0, $0xb8;
	[tilespmem:$0x11A80] =	vst v63  }
0x5a: {  	v4 =	vld [tilespmem:$0x20];
	_ =	sdelay $0x4  }
0x5b: {  	v5 =	vshll.u32 v4, $0x3  }
0x5c: {  	v4 =	vand.u32 $0x7, v4;
	v5 =	vand.u32 $0xFFFFFFC0, v5  }
0x5d: {  	v4 =	vor.u32 v4, v5  }
0x5e: {  	v5 =	vperm.xlane v4, v0;
	_ =	sdelay $0x1  }
0x5f: {  	v5 =	vadd.s32 v1, v5;
	_ =	sdelay $0x4  }
0x60: {  	[tilespmem:s21], [sflag:$0x3] =	stream.indirect_vreg.gather [hbm4b:s2+s26], $0x80, v5, vm0, $0xb8;
	[tilespmem:$0x11A80] =	vst v63  }
0x61: {  	s7 =	simm.s32 $0xA200;
	v4 =	vperm.xlane v4, v2  }
0x62: {  	[tilespmem:s7], [sflag:$0x3] =	stream.indirect_vreg.gather [hbm4b:s9+s26], $0x80, v5, vm0, $0xb8;
	[tilespmem:$0x11A80] =	vst v63  }
0x63: {  	s18 =	simm.s32 $0xAA00;
	v4 =	vadd.s32 v1, v4  }
0x64: {  	[tilespmem:s18], [sflag:$0x3] =	stream.indirect_vreg.gather [hbm4b:s10+s26], $0x80, v5, vm0, $0xb8;
	[tilespmem:$0x11A80] =	vst v63  }
0x65: {  	s20 =	simm.s32 $0xB200  }
0x66: {  	[tilespmem:s20], [sflag:$0x3] =	stream.indirect_vreg.gather [hbm4b:s11+s26], $0x80, v5, vm0, $0xb8;
	[tilespmem:$0x11A80] =	vst v63  }
0x67: {  	s6 =	simm.s32 $0xBA00  }
0x68: {  	[tilespmem:s6], [sflag:$0x3] =	stream.indirect_vreg.gather [hbm4b:s2+s26], $0x80, v4, vm0, $0xb8;
	[tilespmem:$0x11A80] =	vst v63  }
0x69: {  	s7 =	simm.s32 $0xC200  }
0x6a: {  	[tilespmem:s7], [sflag:$0x3] =	stream.indirect_vreg.gather [hbm4b:s9+s26], $0x80, v4, vm0, $0xb8;
	[tilespmem:$0x11A80] =	vst v63  }
0x6b: {  	s28 =	simm.s32 $0xC0;
	s18 =	simm.s32 $0xCA00  }
0x6c: {  	[tilespmem:s18], [sflag:$0x3] =	stream.indirect_vreg.gather [hbm4b:s10+s26], $0x80, v4, vm0, $0xb8;
	[tilespmem:$0x11A80] =	vst v63  }
0x6d: {  	s29 =	rddreg [dreg:$0x3];
	s30 =	simm.s32 $0x0;
	s20 =	simm.s32 $0xD200  }
0x6e: {  	[tilespmem:s20], [sflag:$0x3] =	stream.indirect_vreg.gather [hbm4b:s11+s26], $0x80, v4, vm0, $0xb8;
	[tilespmem:$0x11A80] =	vst v63  }
.LBB2_4:
0x6f: {  	p0 =	sgt.u32 s30, $0x2  }
0x70: {  	s0 =	sshra.s32 @!p0 s26, $0x2  }
0x71: {  	s6 =	simm.s32 @!p0 $0x80;
	s18 =	sadd.s32 @!p0 $0xD00, s0;
	s20 =	sadd.s32 @!p0 $0x680, s0  }
0x72: {  	[tilespmem:s18], [sflag:$0x9] =	stream.indirect.gather @!p0 [hbm4b:s4+s6], $0x1, s20, s6, $0xb8;
	[tilespmem:$0x11A80] =	vst v63  }
0x73: {  	s18 =	sadd.s32 @!p0 $0x1380, s0  }
0x74: {  	[tilespmem:s18], [sflag:$0x9] =	stream.indirect.gather @!p0 [hbm4b:s5+s6], $0x1, s0, s6, $0xb8;
	[tilespmem:$0x11A80] =	vst v63  }
0x75: {  	s20 =	sadd.s32 @!p0 $0x700, s0;
	s18 =	sadd.s32 @!p0 $0xD80, s0  }
0x76: {  	[tilespmem:s18], [sflag:$0x9] =	stream.indirect.gather @!p0 [hbm4b:s4+s6], $0x1, s20, s6, $0xb8;
	[tilespmem:$0x11A80] =	vst v63  }
0x77: {  	s18 =	sadd.s32 @!p0 $0x1400, s0;
	s20 =	sadd.s32 @!p0 $0x80, s0  }
0x78: {  	[tilespmem:s18], [sflag:$0x9] =	stream.indirect.gather @!p0 [hbm4b:s5+s6], $0x1, s20, s6, $0xb8;
	[tilespmem:$0x11A80] =	vst v63  }
0x79: {  	s18 =	sadd.s32 @!p0 $0xE00, s0;
	s20 =	sadd.s32 @!p0 $0x780, s0  }
0x7a: {  	[tilespmem:s18], [sflag:$0x9] =	stream.indirect.gather @!p0 [hbm4b:s4+s6], $0x1, s20, s6, $0xb8;
	[tilespmem:$0x11A80] =	vst v63  }
0x7b: {  	s18 =	sadd.s32 @!p0 $0x1480, s0;
	s20 =	sadd.s32 @!p0 $0x100, s0  }
0x7c: {  	[tilespmem:s18], [sflag:$0x9] =	stream.indirect.gather @!p0 [hbm4b:s5+s6], $0x1, s20, s6, $0xb8;
	[tilespmem:$0x11A80] =	vst v63  }
0x7d: {  	s18 =	sadd.s32 @!p0 $0xE80, s0;
	s20 =	sadd.s32 @!p0 $0x800, s0  }
0x7e: {  	[tilespmem:s18], [sflag:$0x9] =	stream.indirect.gather @!p0 [hbm4b:s4+s6], $0x1, s20, s6, $0xb8;
	[tilespmem:$0x11A80] =	vst v63  }
0x7f: {  	s18 =	sadd.s32 @!p0 $0x1500, s0;
	s0 =	sadd.s32 @!p0 $0x180, s0  }
0x80: {  	[tilespmem:s18], [sflag:$0x9] =	stream.indirect.gather @!p0 [hbm4b:s5+s6], $0x1, s0, s6, $0xb8;
	[tilespmem:$0x11A80] =	vst v63  }
0x81: {  	_ =	swait.ge [sflag:s31], $0x4000  }
0x82: {  	s20 =	simm.s32 $0x1A00;
	p0 =	seq.s32 s26, $0x0;
	[sflag:s31] =	ssyncset.done $0x0  }
0x83: {  	s18 =	sadd.s32 s29, s14;
	s0 =	simm.s32 @!p0 $0x8;
	[sflag:s31] =	ssyncadd.s32 $0xFFFFC000  }
0x84: {  	[hbm4b:s18+s3] =	stream.linear.scatter [tilespmem:s20], [sflag:$0x5], $0x4000, $0x38;
	[tilespmem:$0x11A80] =	vst v63  }
0x85: {  	_ =	swait.ge @!p0 [sflag:s0], $0x4000  }
0x86: {  	[sflag:s0] =	ssyncset.done @!p0 $0x0  }
0x87: {  	[sflag:s0] =	ssyncadd.s32 @!p0 $0xFFFFC000;
	s0 =	sshra.s32 s28, $0x2  }
0x88: {  	v4 =	vld [tilespmem:s0+$0x0];
	_ =	sdelay $0x4  }
0x89: {  	v5 =	vshll.u32 v4, $0x3  }
0x8a: {  	v4 =	vand.u32 $0x7, v4;
	v5 =	vand.u32 $0xFFFFFFC0, v5  }
0x8b: {  	v4 =	vor.u32 v4, v5  }
0x8c: {  	v5 =	vperm.xlane v4, v0;
	_ =	sdelay $0x1  }
0x8d: {  	v5 =	vadd.s32 v1, v5;
	_ =	sdelay $0x4  }
0x8e: {  	[tilespmem:s1], [sflag:$0x4] =	stream.indirect_vreg.gather [hbm4b:s2+s3], $0x80, v5, vm0, $0xb8;
	[tilespmem:$0x11A80] =	vst v63  }
0x8f: {  	s7 =	simm.s32 $0xE200;
	v4 =	vperm.xlane v4, v2  }
0x90: {  	[tilespmem:s7], [sflag:$0x4] =	stream.indirect_vreg.gather [hbm4b:s9+s3], $0x80, v5, vm0, $0xb8;
	[tilespmem:$0x11A80] =	vst v63  }
0x91: {  	s18 =	simm.s32 $0xEA00;
	v4 =	vadd.s32 v1, v4  }
0x92: {  	[tilespmem:s18], [sflag:$0x4] =	stream.indirect_vreg.gather [hbm4b:s10+s3], $0x80, v5, vm0, $0xb8;
	[tilespmem:$0x11A80] =	vst v63  }
0x93: {  	s20 =	simm.s32 $0xF200  }
0x94: {  	[tilespmem:s20], [sflag:$0x4] =	stream.indirect_vreg.gather [hbm4b:s11+s3], $0x80, v5, vm0, $0xb8;
	[tilespmem:$0x11A80] =	vst v63  }
0x95: {  	s7 =	simm.s32 $0xFA00  }
0x96: {  	[tilespmem:s7], [sflag:$0x4] =	stream.indirect_vreg.gather [hbm4b:s2+s3], $0x80, v4, vm0, $0xb8;
	[tilespmem:$0x11A80] =	vst v63  }
0x97: {  	s18 =	simm.s32 $0x10200  }
0x98: {  	[tilespmem:s18], [sflag:$0x4] =	stream.indirect_vreg.gather [hbm4b:s9+s3], $0x80, v4, vm0, $0xb8;
	[tilespmem:$0x11A80] =	vst v63  }
0x99: {  	_ = 	snop  }
0x9a: {  	[tilespmem:s8], [sflag:$0x4] =	stream.indirect_vreg.gather [hbm4b:s10+s3], $0x80, v4, vm0, $0xb8;
	[tilespmem:$0x11A80] =	vst v63  }
0x9b: {  	_ = 	snop  }
0x9c: {  	[tilespmem:s12], [sflag:$0x4] =	stream.indirect_vreg.gather [hbm4b:s11+s3], $0x80, v4, vm0, $0xb8;
	[tilespmem:$0x11A80] =	vst v63  }
0x9d: {  	_ =	swait.ge [sflag:s13], $0x4000  }
0x9e: {  	s6 =	sadd.s32 s29, s15;
	[sflag:s13] =	ssyncset.done $0x0  }
0x9f: {  	s20 =	sadd.s32 $0x800, s6;
	s7 =	simm.s32 $0x5A00;
	[sflag:s13] =	ssyncadd.s32 $0xFFFFC000  }
0xa0: {  	[hbm4b:s20+s3] =	stream.linear.scatter [tilespmem:s7], [sflag:$0x6], $0x4000, $0x38;
	[tilespmem:$0x11A80] =	vst v63  }
0xa1: {  	_ =	swait.ge [sflag:s17], $0x4000  }
0xa2: {  	p0 =	seq.s32 s26, $0xC000;
	[sflag:s17] =	ssyncset.done $0x0  }
0xa3: {  	s18 =	sshra.s32 @!p0 s28, $0x2;
	[sflag:s17] =	ssyncadd.s32 $0xFFFFC000  }
0xa4: {  	v4 =	vld @!p0 [tilespmem:s18+$0x10];
	_ =	sdelay $0x4  }
0xa5: {  	v5 =	vshll.u32 @!p0 v4, $0x3  }
0xa6: {  	v6 =	vlaneseq.u32 @!p0;
	v4 =	vand.u32 @!p0 $0x7, v4;
	v5 =	vand.u32 @!p0 $0xFFFFFFC0, v5  }
0xa7: {  	v7 =	vshrl.u32 @!p0 v6, $0x3;
	v4 =	vor.u32 @!p0 v4, v5;
	v5 =	vand.u32 @!p0 $0x7, v6  }
0xa8: {  	v7 =	vmul.u32 @!p0 $0x8, v7;
	v8 =	vperm.xlane @!p0 v4, v5;
	_ =	sdelay $0x1  }
0xa9: {  	v8 =	vadd.s32 @!p0 v7, v8;
	_ =	sdelay $0x3  }
0xaa: {  	vm1 =	vmmov @!p0 $0xffff;
	s20 =	simm.s32 @!p0 $0x0;
	s7 =	simm.s32 @!p0 $0x1A00  }
0xab: {  	v6 =	vor.u32 @!p0 $0x8, v6;
	[tilespmem:s7], [sflag:$0x1] =	stream.indirect_vreg.gather @!p0 [hbm4b:s2+s20], $0x80, v8, vm1, $0xb8;
	[tilespmem:$0x11A80] =	vst v63  }
0xac: {  	v4 =	vperm.xlane @!p0 v4, v6;
	s7 =	simm.s32 @!p0 $0x2200  }
0xad: {  	[tilespmem:s7], [sflag:$0x1] =	stream.indirect_vreg.gather @!p0 [hbm4b:s9+s20], $0x80, v8, vm1, $0xb8;
	[tilespmem:$0x11A80] =	vst v63  }
0xae: {  	v4 =	vadd.s32 @!p0 v7, v4;
	s7 =	simm.s32 @!p0 $0x2A00  }
0xaf: {  	[tilespmem:s7], [sflag:$0x1] =	stream.indirect_vreg.gather @!p0 [hbm4b:s10+s20], $0x80, v8, vm1, $0xb8;
	[tilespmem:$0x11A80] =	vst v63  }
0xb0: {  	s7 =	simm.s32 @!p0 $0x3200  }
0xb1: {  	[tilespmem:s7], [sflag:$0x1] =	stream.indirect_vreg.gather @!p0 [hbm4b:s11+s20], $0x80, v8, vm1, $0xb8;
	[tilespmem:$0x11A80] =	vst v63  }
0xb2: {  	s7 =	simm.s32 @!p0 $0x3A00  }
0xb3: {  	[tilespmem:s7], [sflag:$0x1] =	stream.indirect_vreg.gather @!p0 [hbm4b:s2+s20], $0x80, v4, vm1, $0xb8;
	[tilespmem:$0x11A80] =	vst v63  }
0xb4: {  	s7 =	simm.s32 @!p0 $0x4200  }
0xb5: {  	[tilespmem:s7], [sflag:$0x1] =	stream.indirect_vreg.gather @!p0 [hbm4b:s9+s20], $0x80, v4, vm1, $0xb8;
	[tilespmem:$0x11A80] =	vst v63  }
0xb6: {  	s7 =	simm.s32 @!p0 $0x4A00  }
0xb7: {  	[tilespmem:s7], [sflag:$0x1] =	stream.indirect_vreg.gather @!p0 [hbm4b:s10+s20], $0x80, v4, vm1, $0xb8;
	[tilespmem:$0x11A80] =	vst v63  }
0xb8: {  	s7 =	simm.s32 @!p0 $0x5200  }
0xb9: {  	[tilespmem:s7], [sflag:$0x1] =	stream.indirect_vreg.gather @!p0 [hbm4b:s11+s20], $0x80, v4, vm1, $0xb8;
	[tilespmem:$0x11A80] =	vst v63  }
0xba: {  	_ =	swait.ge [sflag:s19], $0x4000  }
0xbb: {  	[sflag:s19] =	ssyncset.done $0x0  }
0xbc: {  	s6 =	sadd.s32 $0x1000, s6;
	[sflag:s19] =	ssyncadd.s32 $0xFFFFC000  }
0xbd: {  	[hbm4b:s6+s3] =	stream.linear.scatter [tilespmem:s21], [sflag:$0x7], $0x4000, $0x38;
	[tilespmem:$0x11A80] =	vst v63  }
0xbe: {  	_ =	swait.ge [sflag:s22], $0x4000  }
0xbf: {  	[sflag:s22] =	ssyncset.done $0x0  }
0xc0: {  	[sflag:s22] =	ssyncadd.s32 $0xFFFFC000  }
0xc1: {  	v4 =	vld @!p0 [tilespmem:s18+$0x20];
	_ =	sdelay $0x4  }
0xc2: {  	v8 =	vshll.u32 @!p0 v4, $0x3  }
0xc3: {  	v4 =	vand.u32 @!p0 $0x7, v4;
	v8 =	vand.u32 @!p0 $0xFFFFFFC0, v8  }
0xc4: {  	v4 =	vor.u32 @!p0 v4, v8  }
0xc5: {  	v5 =	vperm.xlane @!p0 v4, v5;
	_ =	sdelay $0x1  }
0xc6: {  	v5 =	vadd.s32 @!p0 v7, v5;
	_ =	sdelay $0x3  }
0xc7: {  	s6 =	simm.s32 @!p0 $0x5A00  }
0xc8: {  	[tilespmem:s6], [sflag:$0x2] =	stream.indirect_vreg.gather @!p0 [hbm4b:s2+s20], $0x80, v5, vm1, $0xb8;
	[tilespmem:$0x11A80] =	vst v63  }
0xc9: {  	v4 =	vperm.xlane @!p0 v4, v6;
	s6 =	simm.s32 @!p0 $0x6200  }
0xca: {  	[tilespmem:s6], [sflag:$0x2] =	stream.indirect_vreg.gather @!p0 [hbm4b:s9+s20], $0x80, v5, vm1, $0xb8;
	[tilespmem:$0x11A80] =	vst v63  }
0xcb: {  	v4 =	vadd.s32 @!p0 v7, v4;
	s6 =	simm.s32 @!p0 $0x6A00  }
0xcc: {  	[tilespmem:s6], [sflag:$0x2] =	stream.indirect_vreg.gather @!p0 [hbm4b:s10+s20], $0x80, v5, vm1, $0xb8;
	[tilespmem:$0x11A80] =	vst v63  }
0xcd: {  	s6 =	simm.s32 @!p0 $0x7200  }
0xce: {  	[tilespmem:s6], [sflag:$0x2] =	stream.indirect_vreg.gather @!p0 [hbm4b:s11+s20], $0x80, v5, vm1, $0xb8;
	[tilespmem:$0x11A80] =	vst v63  }
0xcf: {  	s6 =	simm.s32 @!p0 $0x7A00  }
0xd0: {  	[tilespmem:s6], [sflag:$0x2] =	stream.indirect_vreg.gather @!p0 [hbm4b:s2+s20], $0x80, v4, vm1, $0xb8;
	[tilespmem:$0x11A80] =	vst v63  }
0xd1: {  	s6 =	simm.s32 @!p0 $0x8200  }
0xd2: {  	[tilespmem:s6], [sflag:$0x2] =	stream.indirect_vreg.gather @!p0 [hbm4b:s9+s20], $0x80, v4, vm1, $0xb8;
	[tilespmem:$0x11A80] =	vst v63  }
0xd3: {  	s6 =	simm.s32 @!p0 $0x8A00  }
0xd4: {  	[tilespmem:s6], [sflag:$0x2] =	stream.indirect_vreg.gather @!p0 [hbm4b:s10+s20], $0x80, v4, vm1, $0xb8;
	[tilespmem:$0x11A80] =	vst v63  }
0xd5: {  	s6 =	simm.s32 @!p0 $0x9200  }
0xd6: {  	[tilespmem:s6], [sflag:$0x2] =	stream.indirect_vreg.gather @!p0 [hbm4b:s11+s20], $0x80, v4, vm1, $0xb8;
	[tilespmem:$0x11A80] =	vst v63  }
0xd7: {  	_ =	swait.ge [sflag:s23], $0x4000  }
0xd8: {  	[sflag:s23] =	ssyncset.done $0x0  }
.Ltmp1:
0xd9: {  	s20 =	sadd.s32 s29, s16;
	[sflag:s23] =	ssyncadd.s32 $0xFFFFC000;
	(pc) =	sbr.rel @p0 .LBB2_6-.Ltmp1, $4  }
0xda: {  	[hbm4b:s20+s3] =	stream.linear.scatter [tilespmem:s1], [sflag:$0x8], $0x4000, $0x38;
	[tilespmem:$0x11A80] =	vst v63  }
0xdb: {  	_ =	swait.ge [sflag:s24], $0x4000  }
0xdc: {  	[sflag:s24] =	ssyncset.done $0x0  }
0xdd: {  	[sflag:s24] =	ssyncadd.s32 $0xFFFFC000  }
0xde: {  	v4 =	vld [tilespmem:s0+$0x30];
	_ =	sdelay $0x4  }
0xdf: {  	v5 =	vshll.u32 v4, $0x3  }
0xe0: {  	v4 =	vand.u32 $0x7, v4;
	v5 =	vand.u32 $0xFFFFFFC0, v5  }
0xe1: {  	v4 =	vor.u32 v4, v5  }
0xe2: {  	v5 =	vperm.xlane v4, v0;
	_ =	sdelay $0x1  }
0xe3: {  	v5 =	vadd.s32 v1, v5;
	_ =	sdelay $0x4  }
0xe4: {  	[tilespmem:s21], [sflag:$0x3] =	stream.indirect_vreg.gather [hbm4b:s2+s3], $0x80, v5, vm0, $0xb8;
	[tilespmem:$0x11A80] =	vst v63  }
0xe5: {  	s7 =	simm.s32 $0xA200;
	v4 =	vperm.xlane v4, v2  }
0xe6: {  	[tilespmem:s7], [sflag:$0x3] =	stream.indirect_vreg.gather [hbm4b:s9+s3], $0x80, v5, vm0, $0xb8;
	[tilespmem:$0x11A80] =	vst v63  }
0xe7: {  	s18 =	simm.s32 $0xAA00;
	v4 =	vadd.s32 v1, v4  }
0xe8: {  	[tilespmem:s18], [sflag:$0x3] =	stream.indirect_vreg.gather [hbm4b:s10+s3], $0x80, v5, vm0, $0xb8;
	[tilespmem:$0x11A80] =	vst v63  }
0xe9: {  	s20 =	simm.s32 $0xB200  }
0xea: {  	[tilespmem:s20], [sflag:$0x3] =	stream.indirect_vreg.gather [hbm4b:s11+s3], $0x80, v5, vm0, $0xb8;
	[tilespmem:$0x11A80] =	vst v63  }
0xeb: {  	s6 =	simm.s32 $0xBA00  }
0xec: {  	[tilespmem:s6], [sflag:$0x3] =	stream.indirect_vreg.gather [hbm4b:s2+s3], $0x80, v4, vm0, $0xb8;
	[tilespmem:$0x11A80] =	vst v63  }
0xed: {  	s7 =	simm.s32 $0xC200  }
0xee: {  	[tilespmem:s7], [sflag:$0x3] =	stream.indirect_vreg.gather [hbm4b:s9+s3], $0x80, v4, vm0, $0xb8;
	[tilespmem:$0x11A80] =	vst v63  }
.Ltmp2:
0xef: {  	_ = 	snop;
	(pc) =	sbr.rel .LBB2_4-.Ltmp2, $4  }
0xf0: {  	s30 =	sadd.s32 $0x1, s30;
	s26 =	sadd.s32 $0x800, s26;
	s18 =	simm.s32 $0xCA00  }
0xf1: {  	[tilespmem:s18], [sflag:$0x3] =	stream.indirect_vreg.gather [hbm4b:s10+s3], $0x80, v4, vm0, $0xb8;
	[tilespmem:$0x11A80] =	vst v63  }
0xf2: {  	s28 =	sadd.s32 $0x100, s28;
	s29 =	sadd.s32 $0x2000, s29;
	s20 =	simm.s32 $0xD200  }
0xf3: {  	[tilespmem:s20], [sflag:$0x3] =	stream.indirect_vreg.gather [hbm4b:s11+s3], $0x80, v4, vm0, $0xb8;
	[tilespmem:$0x11A80] =	vst v63  }
.LBB2_6:
0xf4: {  	s0 =	simm.s32 $0x8  }
0xf5: {  	_ =	swait.ge [sflag:s0], $0x4000  }
0xf6: {  	s26 =	simm.s32 $0x40;
	[sflag:s0] =	ssyncset.done $0x0  }
0xf7: {  	s6 =	simm.s32 $0xC80;
	s7 =	simm.s32 $0x1300;
	[sflag:s0] =	ssyncadd.s32 $0xFFFFC000  }
0xf8: {  	[tilespmem:s7], [sflag:$0x9] =	stream.indirect.gather [hbm4b:s4+s26], $0x1, s6, s26, $0xb8;
	[tilespmem:$0x11A80] =	vst v63  }
0xf9: {  	s28 =	simm.s32 $0x600;
	s29 =	simm.s32 $0x1980  }
0xfa: {  	[tilespmem:s29], [sflag:$0x9] =	stream.indirect.gather [hbm4b:s5+s26], $0x1, s28, s26, $0xb8;
	[tilespmem:$0x11A80] =	vst v63  }
0xfb: {  	_ =	swait.ge [sflag:s25], $0x80  }
0xfc: {  	[sflag:s25] =	ssyncset.done $0x0  }
0xfd: {  	[sflag:s25] =	ssyncadd.s32 $0xFFFFFF80  }
0xfe: {  	_ =	swait.ge [sflag:s25], $0x80  }
0xff: {  	[sflag:s25] =	ssyncset.done $0x0  }
0x100: {  	[sflag:s25] =	ssyncadd.s32 $0xFFFFFF80  }
0x101: {  	_ =	swait.ge [sflag:s25], $0x80  }
0x102: {  	[sflag:s25] =	ssyncset.done $0x0  }
0x103: {  	[sflag:s25] =	ssyncadd.s32 $0xFFFFFF80  }
0x104: {  	_ =	swait.ge [sflag:s25], $0x80  }
0x105: {  	[sflag:s25] =	ssyncset.done $0x0  }
0x106: {  	[sflag:s25] =	ssyncadd.s32 $0xFFFFFF80  }
0x107: {  	_ =	swait.ge [sflag:s25], $0x80  }
0x108: {  	[sflag:s25] =	ssyncset.done $0x0  }
0x109: {  	[sflag:s25] =	ssyncadd.s32 $0xFFFFFF80  }
0x10a: {  	_ =	swait.ge [sflag:s25], $0x80  }
0x10b: {  	[sflag:s25] =	ssyncset.done $0x0  }
0x10c: {  	[sflag:s25] =	ssyncadd.s32 $0xFFFFFF80  }
0x10d: {  	_ =	swait.ge [sflag:s25], $0x80  }
0x10e: {  	[sflag:s25] =	ssyncset.done $0x0  }
0x10f: {  	[sflag:s25] =	ssyncadd.s32 $0xFFFFFF80  }
0x110: {  	_ =	swait.ge [sflag:s25], $0x80  }
0x111: {  	[sflag:s25] =	ssyncset.done $0x0  }
0x112: {  	[sflag:s25] =	ssyncadd.s32 $0xFFFFFF80  }
0x113: {  	_ =	swait.ge [sflag:s25], $0x80  }
0x114: {  	[sflag:s25] =	ssyncset.done $0x0  }
0x115: {  	[sflag:s25] =	ssyncadd.s32 $0xFFFFFF80  }
0x116: {  	_ =	swait.ge [sflag:s25], $0x80  }
0x117: {  	[sflag:s25] =	ssyncset.done $0x0  }
0x118: {  	[sflag:s25] =	ssyncadd.s32 $0xFFFFFF80  }
0x119: {  	_ =	swait.ge [sflag:s25], $0x80  }
0x11a: {  	[sflag:s25] =	ssyncset.done $0x0  }
0x11b: {  	[sflag:s25] =	ssyncadd.s32 $0xFFFFFF80  }
0x11c: {  	_ =	swait.ge [sflag:s25], $0x80  }
0x11d: {  	[sflag:s25] =	ssyncset.done $0x0  }
0x11e: {  	[sflag:s25] =	ssyncadd.s32 $0xFFFFFF80  }
0x11f: {  	_ =	swait.ge [sflag:s25], $0x80  }
0x120: {  	[sflag:s25] =	ssyncset.done $0x0  }
0x121: {  	[sflag:s25] =	ssyncadd.s32 $0xFFFFFF80  }
0x122: {  	_ =	swait.ge [sflag:s25], $0x80  }
0x123: {  	[sflag:s25] =	ssyncset.done $0x0  }
0x124: {  	[sflag:s25] =	ssyncadd.s32 $0xFFFFFF80  }
0x125: {  	_ =	swait.ge [sflag:s25], $0x80  }
0x126: {  	[sflag:s25] =	ssyncset.done $0x0  }
0x127: {  	[sflag:s25] =	ssyncadd.s32 $0xFFFFFF80  }
0x128: {  	_ =	swait.ge [sflag:s25], $0x80  }
0x129: {  	[sflag:s25] =	ssyncset.done $0x0  }
0x12a: {  	[sflag:s25] =	ssyncadd.s32 $0xFFFFFF80  }
0x12b: {  	_ =	swait.ge [sflag:s25], $0x80  }
0x12c: {  	[sflag:s25] =	ssyncset.done $0x0  }
0x12d: {  	[sflag:s25] =	ssyncadd.s32 $0xFFFFFF80  }
0x12e: {  	_ =	swait.ge [sflag:s25], $0x80  }
0x12f: {  	[sflag:s25] =	ssyncset.done $0x0  }
0x130: {  	[sflag:s25] =	ssyncadd.s32 $0xFFFFFF80  }
0x131: {  	_ =	swait.ge [sflag:s25], $0x80  }
0x132: {  	[sflag:s25] =	ssyncset.done $0x0  }
0x133: {  	[sflag:s25] =	ssyncadd.s32 $0xFFFFFF80  }
0x134: {  	_ =	swait.ge [sflag:s25], $0x80  }
0x135: {  	[sflag:s25] =	ssyncset.done $0x0  }
0x136: {  	[sflag:s25] =	ssyncadd.s32 $0xFFFFFF80  }
0x137: {  	_ =	swait.ge [sflag:s25], $0x80  }
0x138: {  	[sflag:s25] =	ssyncset.done $0x0  }
0x139: {  	[sflag:s25] =	ssyncadd.s32 $0xFFFFFF80  }
0x13a: {  	_ =	swait.ge [sflag:s25], $0x80  }
0x13b: {  	[sflag:s25] =	ssyncset.done $0x0  }
0x13c: {  	[sflag:s25] =	ssyncadd.s32 $0xFFFFFF80  }
0x13d: {  	_ =	swait.ge [sflag:s25], $0x80  }
0x13e: {  	[sflag:s25] =	ssyncset.done $0x0  }
0x13f: {  	[sflag:s25] =	ssyncadd.s32 $0xFFFFFF80  }
0x140: {  	_ =	swait.ge [sflag:s25], $0x80  }
0x141: {  	[sflag:s25] =	ssyncset.done $0x0  }
0x142: {  	[sflag:s25] =	ssyncadd.s32 $0xFFFFFF80  }
0x143: {  	_ =	swait.ge [sflag:s25], $0x40  }
0x144: {  	[sflag:s25] =	ssyncset.done $0x0  }
0x145: {  	[sflag:s25] =	ssyncadd.s32 $0xFFFFFFC0  }
0x146: {  	_ =	swait.ge [sflag:s25], $0x40  }
0x147: {  	[sflag:s25] =	ssyncset.done $0x0  }
0x148: {  	s30 =	simm.s32 $0x0;
	[sflag:s25] =	ssyncadd.s32 $0xFFFFFFC0  }
0x149: {  	v5 =	vld [tilespmem:s30+$0x1380]  }
0x14a: {  	v4 =	vimm.f32 $0.0e+00;
	s0 =	simm.s32 $0x40;
	v6 =	vld [tilespmem:s30+$0xD00]  }
.LBB2_7:
0x14b: {  	_ = 	snop  }
0x14c: {  	p0 =	sne.s32 s0, $0x18C0  }
.Ltmp3:
0x14d: {  	_ = 	snop;
	(pc) =	sbr.rel @p0 .LBB2_7-.Ltmp3, $4  }
0x14e: {  	_ = 	snop  }
0x14f: {  	s6 =	sshra.s32 s0, $0x2;
	v7 =	vsub.f32 v5, v6  }
0x150: {  	v5 =	vld [tilespmem:s6+$0x1380]  }
0x151: {  	s0 =	sadd.s32 $0x40, s0;
	v6 =	vld [tilespmem:s6+$0xD00];
	v4 =	vadd.f32 v7, v4  }
0x152: {  	_ = 	snop  }
0x153: {  	[tilespmem:$0x11A10] =	vst v3  }
0x154: {  	[tilespmem:$0x11A20] =	vst v3  }
0x155: {  	[tilespmem:$0x11A30] =	vst v3  }
0x156: {  	[tilespmem:$0x11A40] =	vst v3;
	v5 =	vsub.f32 v5, v6  }
0x157: {  	[tilespmem:$0x11A50] =	vst v3  }
0x158: {  	[tilespmem:$0x11A60] =	vst v3;
	v4 =	vadd.f32 v5, v4  }
0x159: {  	[tilespmem:$0x11A70] =	vst v3  }
0x15a: {  	s0 =	rddreg [dreg:$0x6];
	s6 =	simm.s32 $0x11A00;
	[tilespmem:$0x11A00] =	vst v4  }
0x15b: {  	[hbm4b:s0+s3] =	stream.linear.scatter [tilespmem:s6], [sflag:$0xA], $0x80, $0x38;
	[tilespmem:$0x11A80] =	vst v63  }
0x15c: {  	s6 =	simm.s32 $0xA  }
0x15d: {  	_ =	swait.ge [sflag:s6], $0x80  }
0x15e: {  	s7 =	rddreg [dreg:$0x8]  }
0x15f: {  	s30 =	rddreg [dreg:$0x7];
	s7 =	sadd.s32 $0x1, s7  }
0x160: {  	p0 =	sne.s32 s7, s30  }
.Ltmp4:
0x161: {  	_ = 	snop;
	(pc) =	sbr.rel @p0 .LBB2_1-.Ltmp4, $3  }
0x162: {  	_ =	sdelay $0x1  }
0x163: {  	[sflag:s6] =	ssyncset.done $0x0  }
0x164: {  	[sflag:s6] =	ssyncadd.s32 $0xFFFFFF80  }
0x165: {  	_ =	sfence.sel $0x180000  }
0x166: {  	[bflag:$0x0] =	sbarrier.arrive $0xFFFF  }
0x167: {  	_ =	strace $0x90000047  }
0x168: {  	s0 =	stileid.u32;
	[bflag:$0x2] =	sbarrier.arrive $0xFFFF  }
0x169: {  	p0 =	sne.s32 s0, $0x0;
	s0 =	rddreg [dreg:$0x2]  }
0x16a: {  	s0 =	sadd.s32 @!p0 $0x100000, s0  }
0x16b: {  	[sflag:s0] =	ssyncadd.tile.s32 @!p0 $0x1;
	_ =	shalt  }
.Lfunc_end2:
_tile_overlayer_lowered:
.L_overlay_start_2:
0x16c: {  	(tag) =	ssettag $0x2  }
0x16d: {  	s0 =	rddreg [dreg:$0x0];
	s2 =	stileid.u32  }
0x16e: {  	s1 =	rddreg [dreg:$0x1];
	p0 =	sne.s32 s2, $0x0  }
0x16f: {  	s3 =	rddreg [dreg:$0x2];
	[bflag:$0x3] =	sbarrier.arrive $0xFFFF;
	s2 =	simm.s32 @!p0 $0x1C0A  }
0x170: {  	[timem:s3], [sflag:s2] =	dma.local @!p0 [hbm:s0], s1  }
0x171: {  	s0 =	simm.s32 @!p0 $0xA  }
0x172: {  	_ =	swait.ge @!p0 [sflag:s0], s1  }
0x173: {  	s1 =	ssub.s32 @!p0 $0x0, s1;
	[sflag:s0] =	ssyncset.done @!p0 $0x0  }
0x174: {  	[sflag:s0] =	ssyncadd.s32 @!p0 s1  }
0x175: {  	[bflag:$0x3] =	sbarrier.arrive $0xFFFF  }
0x176: {  	_ =	shalt  }

// kernel: sparse-core-data-format-call.cloned.1.call-start
scs
called_computation_lowered:
.L_overlay_start_0:
0x0: {  	s2 =	sld [smem:$0x3FD9]  }
0x1: {  	s3 =	sld [smem:$0x3FFE];
	_ =	sdelay $0x1  }
0x2: {  	s1 =	srdreg.scid  }
0x3: {  	s0 =	sand.u32 $0x1, s1  }
0x4: {  	s15 =	sshll.u32 s0, $0xA;
	s2 =	sadd.s32 s3, s2  }
0x5: {  	s2 =	sadd.s32 s2, s15  }
0x6: {  	[smem:$0x3FC5] =	sst s2  }
0x7: {  	_ = 	snop  }
0x8: {  	s2 =	sld [smem:$0x3FD0];
	_ =	sdelay $0x2  }
0x9: {  	s16 =	simm.s32 $0xA;
	s4 =	simm.s32 $0x10  }
0xa: {  	[smem:s4], [sflag:s16] =	dma.local [hbm:s2], $0x1  }
0xb: {  	_ =	swait.eq [sflag:s16], $0x1  }
0xc: {  	[sflag:s16] =	ssyncset.done $0x0  }
0xd: {  	[sflag:s16] =	ssyncadd.s32 $0xFFFFFFFF  }
0xe: {  	s17 =	sld [smem:$0x10];
	(tm) =	ssettm $0x1  }
0xf: {  	s18 =	sld [smem:$0x3FFB];
	_ =	sdelay $0x3  }
0x10: {  	_ =	strace s18  }
0x11: {  	s3 =	sld [smem:$0x3FFC];
	_ =	sdelay $0x3  }
0x12: {  	_ =	strace s3  }
0x13: {  	s3 =	sld [smem:$0x3FFD];
	_ =	sdelay $0x3  }
0x14: {  	_ =	strace s3  }
0x15: {  	_ =	strace $0x8FFFFFFF  }
0x16: {  	s19 =	sld [smem:$0x3FDB];
	_ =	sdelay $0x1  }
0x17: {  	s20 =	simm.s32 $_scs_section_size  }
0x18: {  	s5 =	simm.s32 $_size__tile_overlayer_lowered;
	s6 =	simm.s32 $_tile_overlayer_lowered  }
0x19: {  	s23 =	simm.s32 $0x1BFF;
	s22 =	sshll.u32 s6, $0x1;
	s3 =	sadd.s32 s20, s19  }
0x1a: {  	s7 =	simm.s32 $0x0;
	s21 =	sshll.u32 s5, $0x1;
	s5 =	sadd.s32 s22, s3  }
0x1b: {  	[timem:s7], [sflag:s23] =	dma.local [hbm:s5], s21  }
0x1c: {  	_ =	swait.ge [sflag:s23], s21  }
0x1d: {  	s4 =	ssub.s32 $0x0, s21;
	[sflag:s23] =	ssyncset.done $0x0  }
0x1e: {  	[sflag:s23] =	ssyncadd.s32 s4;
	_ =	sdelay $0x1  }
0x1f: {  	s24 =	simm.s32 $0x1B8B  }
0x20: {  	_ =	swait.ge [sflag:s24], $0x1  }
0x21: {  	[sflag:s24] =	ssyncset.done $0x0  }
0x22: {  	s26 =	simm.s32 $0x1B8E;
	s25 =	sld [smem:$0x3FFE];
	[sflag:s24] =	ssyncadd.s32 $0xFFFFFFFF  }
0x23: {  	s27 =	simm.s32 $execute0_lowered;
	[smem:$0x3FD2] =	sst s26  }
0x24: {  	s5 =	sshll.u32 s27, $0x1;
	_ =	strace $0x80000049;
	[dreg:$0x1] =	wrdreg $0xFFFFFFFF  }
0x25: {  	s28 =	simm.s32 $_size_execute0_lowered;
	s3 =	sadd.s32 s3, s5;
	[dreg:$0x0] =	wrdreg $0x0  }
0x26: {  	s5 =	sshll.u32 s28, $0x1;
	[dreg:$0x2] =	wrdreg s3  }
0x27: {  	[dreg:$0x3] =	wrdreg s5  }
0x28: {  	[dreg:$0x4] =	wrdreg $0xC0  }
0x29: {  	_ =	task [dreg:s7], $0x5FFFF  }
0x2a: {  	[dreg:$0x1] =	wrdreg $0xFFFFFFFF  }
0x2b: {  	[dreg:$0x0] =	wrdreg $0x60  }
0x2c: {  	[dreg:$0x2] =	wrdreg s25  }
0x2d: {  	[dreg:$0x3] =	wrdreg s17  }
0x2e: {  	[dreg:$0x4] =	wrdreg $0x9  }
0x2f: {  	_ =	task.clear_ibuf [dreg:s7], $0x5FFFF;
	_ =	strace $0x90000049  }
0x30: {  	s29 =	simm.s32 $0x9;
	_ =	strace $0x8000004B  }
0x31: {  	_ =	swait.ge [sflag:s29], $0x1  }
0x32: {  	[sflag:s29] =	ssyncadd.s32 $0xFFFFFFFF  }
0x33: {  	_ =	strace $0x9000004B  }
0x34: {  	_ =	sfence  }
0x35: {  	s30 =	sld [smem:$0x0];
	_ =	sdelay $0x2  }
0x36: {  	s31 =	sshll.u32 s1, $0xD;
	s1 =	sshrl.u32 s1, $0x2  }
0x37: {  	s3 =	sand.u32 $0x4000, s31;
	s1 =	sadd.s32 s1, s30  }
0x38: {  	s0 =	sor.u32 s3, s0;
	s1 =	sshll.u32 s1, $0x11  }
0x39: {  	s0 =	sor.u32 s1, s0  }
0x3a: {  	s0 =	sadd.s32 $0x8F2B, s0  }
0x3b: {  	[sflag:s0] =	ssyncadd.remote.s32 $0x1  }
0x3c: {  	_ =	sfence.sel $0xFFFF  }
0x3d: {  	[dreg:$0x0] =	wrdreg $0xFFFFFFFF;
	(pc) =	sbr.abs _section_cstart, $3  }
0x3e: {  	[dreg:$0x1] =	wrdreg $0xFFFFFFFF  }
0x3f: {  	_ =	task.clear_ibuf [dreg:s7], $0x2FFFF;
	_ =	strace $0x9FFFFFFF  }
0x40: {  	(tm) =	ssettm $0x7FFFFFFF  }
0x41: {  	_ =	shalt  }
tec
execute0_lowered:
.L_overlay_start_1:
0x0: {  	(tag) =	ssettag $0x1  }
0x1: {  	s4 =	rddreg [dreg:$0x0]  }
0x2: {  	s2 =	rddreg [dreg:$0x1];
	s1 =	stileid.u32  }
0x3: {  	s3 =	srdreg.scid;
	s0 =	rddreg [dreg:$0x2];
	_ =	strace $0x8000004A  }
0x4: {  	s10 =	simm.s32 $0x2;
	s14 =	simm.s32 $0x0;
	s16 =	simm.s32 $0x0  }
0x5: {  	s12 =	simm.s32 $0x0;
	s15 =	simm.s32 $0x0;
	s3 =	sshll.u32 s3, $0x4  }
0x6: {  	s5 =	sshll.u32 s1, $0x7;
	s4 =	sadd.s32 $0x23600, s4;
	s6 =	sand.u32 $0x10, s3  }
0x7: {  	s3 =	sand.u32 $0x180, s5;
	s5 =	simm.s32 $0x1;
	s8 =	sor.u32 s1, s6  }
0x8: {  	s31 =	ssub.s32 $0xC800, s3;
	[sflag:s5] =	ssyncpa.u1 $0x0;
	s13 =	smov.u32 s3  }
.Ltmp0:
0x9: {  	s7 =	sshll.u32 s8, $0x5;
	s9 =	sand.u32 $0x180, s31;
	(pc) =	sbr.rel .LBB1_1-.Ltmp0, $4  }
0xa: {  	s11 =	sshrl.u32 s31, $0x9;
	p0 =	sne.s32 s9, $0x0;
	s9 =	simm.s32 $0x1  }
0xb: {  	[sflag:s10] =	ssyncpa.u1 $0x0;
	s8 =	sshll.u32 s8, $0x8;
	s9 =	simm.s32 @!p0 $0x0  }
0xc: {  	s10 =	simm.s32 $0x64000;
	s6 =	sand.u32 $0x380, s7;
	s7 =	sadd.s32 s9, s11  }
0xd: {  	p0 =	por $0x0, $0x0;
	s11 =	simm.s32 $0x0;
	s9 =	sadd.s32 $0x1, s7  }
.LBB1_4:
0xe: {  	s22 =	sshrl.u32 s11, $0x3  }
0xf: {  	s23 =	sshll.u32 s12, $0x3;
	s24 =	sand.u32 $0x7F, s12;
	s22 =	smul.u32 $0x64000, s22  }
0x10: {  	v5 =	vld [tilespmem:s18+$0xFFFFFFD0];
	s21 =	sshra.s32 s21, $0x2;
	s25 =	sshra.s32 s12, $0x1F;
	s23 =	sand.u32 $0xFFFFFC00, s23  }
0x11: {  	[tilespmem:s20+$0x2040 ss:$0x81] =	vst.msk $0xffff, v4;
	v58 =	vld [tilespmem:s18+$0xFFFFFFE0];
	p1 =	sgt.s32 s12, $0xC780;
	s25 =	sand.u32 s25, s12;
	s22 =	sadd.s32 s23, s22  }
0x12: {  	[tilespmem:s20+$0x2850 ss:$0x81] =	vst.msk $0xffff, v3;
	v59 =	vld [tilespmem:s18+$0xFFFFFFF0];
	s23 =	sor.u32 s24, s22;
	s22 =	smulhi.u32 $0x51EB851F, s22;
	s24 =	smov.u32 s12  }
0x13: {  	[tilespmem:s20+$0x3060 ss:$0x81] =	vst.msk $0xffff, v2;
	v60 =	vld [tilespmem:s18+$0x0];
	s19 =	sadd.s32 s21, s19;
	s26 =	smulhi.u32 $0x51EB851F, s23;
	s24 =	simm.s32 @!p1 $0xC780  }
0x14: {  	[tilespmem:s20+$0x0 ss:$0x81] =	vst.msk $0xffff, v0;
	v61 =	vld [tilespmem:s18+$0x10];
	p1 =	sgt.s32 s11, $0x368;
	s28 =	sshrl.u32 s22, $0xE;
	s29 =	ssub.s32 s24, s25  }
0x15: {  	[tilespmem:s19+$0x3870 ss:$0x81] =	vst.msk $0xffff, v1;
	s30 =	sshrl.u32 s26, $0xE;
	s31 =	smulhi.u32 $0x418938, s28;
	s25 =	sadd.s32 $0xFFFF3880, s29  }
0x16: {  	v62 =	vld [tilespmem:s18+$0x20];
	[tilespmem:s19+$0x810 ss:$0x81] =	vst.msk $0xffff, v5;
	s22 =	smul.u32 $0xC800, s30;
	p2 =	sgt.s32 s25, $0x7F;
	s25 =	smov.u32 s11  }
0x17: {  	v63 =	vld [tilespmem:s18+$0xFFFFFFC0];
	[tilespmem:s19+$0x1020 ss:$0x81] =	vst.msk $0xffff, v58;
	s21 =	ssub.s32 $0xC800, s29;
	s25 =	simm.s32 @!p1 $0x368;
	s26 =	smul.u32 $0x3E8, s31  }
0x18: {  	[tilespmem:s19+$0x1830 ss:$0x81] =	vst.msk $0xffff, v59;
	s21 =	simm.s32 @p2 $0x0;
	s27 =	ssub.s32 $0x3E8, s25  }
0x19: {  	[tilespmem:s19+$0x2040 ss:$0x81] =	vst.msk $0xffff, v60;
	s22 =	ssub.s32 s23, s22;
	s18 =	ssub.s32 s28, s26;
	s28 =	smul.u32 s27, s21  }
0x1a: {  	[tilespmem:s19+$0x2850 ss:$0x81] =	vst.msk $0xffff, v61;
	s29 =	sshrl.u32 s22, $0x3;
	s22 =	sand.u32 $0x7, s22;
	s18 =	smul.u32 $0x1900, s18  }
0x1b: {  	[tilespmem:s19+$0x3060 ss:$0x81] =	vst.msk $0xffff, v62;
	s21 =	sadd.s32 s2, s29;
	s22 =	sshll.u32 s22, $0x12  }
0x1c: {  	[tilespmem:s19+$0x0 ss:$0x81] =	vst.msk $0xffff, v63;
	s30 =	sand.u32 $0x3FFFFFF8, s28;
	s31 =	sor.u32 $0x400, s22;
	s18 =	sadd.s32 s18, s21  }
0x1d: {  	[hbm4b:s18+s31] =	stream.strided.scatter [tilespmem:s17], [sflag:$0x2], s30, s10, s31, $0x20;
	[tilespmem:$0x10100] =	vst v63  }
.LBB1_5:
0x1e: {  	p1 =	slt.u32 s15, $0x2  }
0x1f: {  	p2 =	sgt.s32 @!p1 s16, $0xC780  }
0x20: {  	s17 =	smov.u32 s16;
	s18 =	sshra.s32 @!p1 s16, $0x1F;
	p2 =	por !p2, p1  }
0x21: {  	s16 =	sand.u32 @!p1 s18, s16;
	s17 =	simm.s32 @p2 $0xC780  }
0x22: {  	s16 =	ssub.s32 @!p1 s17, s16  }
0x23: {  	p2 =	sgt.s32 @!p1 s14, $0x368;
	s17 =	sadd.s32 @!p1 $0xFFFF3880, s16  }
0x24: {  	s18 =	sadd.s32 $0x200, s13;
	p2 =	por !p2, p1;
	p3 =	sgt.s32 @!p1 s17, $0x7F  }
0x25: {  	s14 =	simm.s32 @p2 $0x368;
	s16 =	ssub.s32 @!p1 $0xC800, s16;
	p2 =	por !p3, p1  }
0x26: {  	s14 =	ssub.s32 @!p1 $0x3E8, s14;
	s16 =	simm.s32 @!p2 $0x0;
	p2 =	sgt.s32 s18, $0xC7FF  }
0x27: {  	s14 =	smul.u32 @!p1 s14, s16;
	s18 =	smov.u32 @p2 s3;
	p2 =	sne.s32 s15, s9  }
.Ltmp1:
0x28: {  	s20 =	sadd.s32 $0x1, s15;
	p0 =	por !p0, !p0;
	(pc) =	sbr.rel @!p2 .LBB1_6-.Ltmp1, $4  }
0x29: {  	s17 =	simm.s32 @!p1 $0x2;
	s16 =	smov.u32 s12;
	s14 =	sand.u32 @!p1 $0x3FFFFFFF, s14  }
0x2a: {  	s12 =	smov.u32 s13;
	s15 =	smov.u32 s20;
	_ =	swait.ge @!p1 [sflag:s17], s14  }
0x2b: {  	s13 =	smov.u32 s18;
	s19 =	ssub.s32 @!p1 $0x0, s14;
	[sflag:s17] =	ssyncset.done @!p1 $0x0  }
0x2c: {  	s14 =	smov.u32 s11;
	s11 =	smov.u32 s6;
	[sflag:s17] =	ssyncadd.s32 @!p1 s19  }
.LBB1_1:
0x2d: {  	p1 =	sge.u32 s15, s7  }
0x2e: {  	s17 =	sshll.u32 @!p1 s13, $0xA  }
0x2f: {  	s17 =	sand.u32 @!p1 $0xFFFFE000, s17  }
0x30: {  	s17 =	sor.u32 @!p1 s8, s17  }
0x31: {  	s17 =	sshrl.u32 @!p1 s17, $0xA  }
0x32: {  	s18 =	smulhi.u32 @!p1 $0x28F5C3, s17;
	_ =	sdelay $0x1  }
0x33: {  	s18 =	sshrl.u32 @!p1 s18, $0x5  }
0x34: {  	s18 =	smul.u32 @!p1 $0xC800, s18  }
0x35: {  	s31 =	sadd.s32 $0xFFFFFFFF, s15;
	s19 =	sxor.u32 @!p1 $0xFFFFFFFF, s15;
	s20 =	sshll.u32 @!p1 s13, $0x4  }
0x36: {  	s19 =	sshll.u32 @!p1 s19, $0xE;
	s17 =	ssub.s32 @!p1 s17, s18;
	s18 =	sand.u32 @!p1 $0x70, s20  }
0x37: {  	s19 =	sand.u32 @!p1 $0x4000, s19;
	s17 =	sshll.u32 @!p1 s17, $0x7;
	s18 =	sadd.s32 @!p1 s4, s18  }
0x38: {  	s20 =	simm.s32 @!p1 $0x2000;
	s17 =	sadd.s32 @!p1 s17, s18;
	s18 =	simm.s32 @!p1 $0x400  }
0x39: {  	[tilespmem:s19], [sflag:$0x1] =	stream.strided.gather @!p1 [hbm4b:s17+s18], $0x4000, s20, s18, $0x38;
	[tilespmem:$0x10100] =	vst v63  }
0x3a: {  	p1 =	sge.u32 s31, s7  }
.Ltmp2:
0x3b: {  	_ = 	snop;
	(pc) =	sbr.rel @p1 .LBB1_5-.Ltmp2, $1  }
0x3c: {  	_ =	sdelay $0x3  }
0x3d: {  	s17 =	simm.s32 $0x1  }
0x3e: {  	_ =	swait.ge [sflag:s5], $0x4000;
	s17 =	simm.s32 @!p0 $0x0  }
0x3f: {  	[sflag:s5] =	ssyncset.done $0x0;
	s18 =	sshll.u32 s17, $0xE  }
0x40: {  	[sflag:s5] =	ssyncadd.s32 $0xFFFFC000;
	s18 =	sor.u32 $0x40, s18  }
0x41: {  	s17 =	smul.u32 $0x10200, s17;
	v0 =	vld [tilespmem:s18+$0x30]  }
0x42: {  	v1 =	vld [tilespmem:s18+$0xFFFFFFD0]  }
0x43: {  	s17 =	sshrl.u32 s17, $0x2;
	v5 =	vld [tilespmem:s18+$0xFFFFFFE0]  }
0x44: {  	v6 =	vld [tilespmem:s18+$0xFFFFFFF0];
	s19 =	sor.u32 $0x8000, s17  }
0x45: {  	s31 =	sand.u32 $0x1, s15;
	v4 =	vld [tilespmem:s18+$0x0];
	s20 =	sadd.s32 $0x0, s19  }
0x46: {  	v3 =	vld [tilespmem:s18+$0x10];
	s17 =	smul.u32 $0x10200, s31;
	[tilespmem:s20+$0x3870 ss:$0x81] =	vst.msk $0xffff, v0  }
0x47: {  	v2 =	vld [tilespmem:s18+$0x20];
	[tilespmem:s20+$0x810 ss:$0x81] =	vst.msk $0xffff, v1  }
0x48: {  	s17 =	sshrl.u32 s17, $0x2;
	v0 =	vld [tilespmem:s18+$0xFFFFFFC0];
	[tilespmem:s20+$0x1020 ss:$0x81] =	vst.msk $0xffff, v5;
	s18 =	sadd.s32 $0x80, s18  }
0x49: {  	s21 =	simm.s32 $0x4;
	s22 =	simm.s32 $0x8;
	s17 =	sor.u32 $0x8000, s17;
	[tilespmem:s20+$0x1830 ss:$0x81] =	vst.msk $0xffff, v6;
	v1 =	vld [tilespmem:s18+$0x30]  }
.LBB1_3:
0x4a: {  	p1 =	sne.s32 s22, $0x1FC;
	v5 =	vld [tilespmem:s18+$0xFFFFFFD0];
	[tilespmem:s20+$0x2040 ss:$0x81] =	vst.msk $0xffff, v4  }
0x4b: {  	v6 =	vld [tilespmem:s18+$0xFFFFFFE0];
	[tilespmem:s20+$0x2850 ss:$0x81] =	vst.msk $0xffff, v3  }
0x4c: {  	s23 =	sshra.s32 s21, $0x2;
	s21 =	smov.u32 s22;
	v7 =	vld [tilespmem:s18+$0xFFFFFFF0];
	[tilespmem:s20+$0x3060 ss:$0x81] =	vst.msk $0xffff, v2  }
.Ltmp3:
0x4d: {  	v4 =	vld [tilespmem:s18+$0x0];
	[tilespmem:s20+$0x0 ss:$0x81] =	vst.msk $0xffff, v0;
	s20 =	sadd.s32 s23, s19;
	(pc) =	sbr.rel @p1 .LBB1_3-.Ltmp3, $4  }
0x4e: {  	v3 =	vld [tilespmem:s18+$0x10];
	[tilespmem:s20+$0x3870 ss:$0x81] =	vst.msk $0xffff, v1  }
0x4f: {  	[tilespmem:s20+$0x810 ss:$0x81] =	vst.msk $0xffff, v5;
	v2 =	vld [tilespmem:s18+$0x20]  }
0x50: {  	v0 =	vld [tilespmem:s18+$0xFFFFFFC0];
	[tilespmem:s20+$0x1020 ss:$0x81] =	vst.msk $0xffff, v6;
	s18 =	sadd.s32 $0x80, s18  }
0x51: {  	s22 =	sadd.s32 $0x4, s22;
	v1 =	vld [tilespmem:s18+$0x30];
	[tilespmem:s20+$0x1830 ss:$0x81] =	vst.msk $0xffff, v7  }
.Ltmp4:
0x52: {  	_ = 	snop;
	(pc) =	sbr.rel .LBB1_4-.Ltmp4, $1  }
0x53: {  	_ =	sdelay $0x3  }
.LBB1_6:
0x54: {  	_ =	sfence.sel $0x180000  }
0x55: {  	s2 =	simm.s32 $0x1;
	[bflag:$0x0] =	sbarrier.arrive $0xFFFF  }
0x56: {  	s31 =	simm.s32 $0x2;
	[sflag:s2] =	ssyncpa.u1 $0x1  }
0x57: {  	[sflag:s31] =	ssyncpa.u1 $0x1  }
0x58: {  	p0 =	sne.s32 s1, $0x0;
	_ =	strace $0x9000004A  }
0x59: {  	s0 =	sadd.s32 @!p0 $0x100000, s0;
	[bflag:$0x2] =	sbarrier.arrive $0xFFFF  }
0x5a: {  	[sflag:s0] =	ssyncadd.tile.s32 @!p0 $0x1;
	_ =	shalt  }
.Lfunc_end1:
_tile_overlayer_lowered:
.L_overlay_start_2:
0x5b: {  	(tag) =	ssettag $0x2  }
0x5c: {  	s0 =	rddreg [dreg:$0x0];
	s2 =	stileid.u32  }
0x5d: {  	s1 =	rddreg [dreg:$0x1];
	p0 =	sne.s32 s2, $0x0  }
0x5e: {  	s3 =	rddreg [dreg:$0x2];
	[bflag:$0x3] =	sbarrier.arrive $0xFFFF;
	s2 =	simm.s32 @!p0 $0x1C01  }
0x5f: {  	[timem:s3], [sflag:s2] =	dma.local @!p0 [hbm:s0], s1  }
0x60: {  	s0 =	simm.s32 @!p0 $0x1  }
0x61: {  	_ =	swait.ge @!p0 [sflag:s0], s1  }
0x62: {  	s1 =	ssub.s32 @!p0 $0x0, s1;
	[sflag:s0] =	ssyncset.done @!p0 $0x0  }
0x63: {  	[sflag:s0] =	ssyncadd.s32 @!p0 s1  }
0x64: {  	[bflag:$0x3] =	sbarrier.arrive $0xFFFF  }
0x65: {  	_ =	shalt  }

</sc_bundles>
